<compile_context>
chip_gen: v7x
topology: tpu7x:2x2x1
jax: 0.10.2.dev20260603
libtpu: 0.0.44.dev20260713+nightly
codegen_flags: <defaults>
</compile_context>

<pallas_src>
import functools

import jax
import jax.numpy as jnp
from jax import lax
from jax.experimental import pallas as pl
from jax.experimental.pallas import tpu as pltpu
from jax.experimental.pallas import tpu_sc as plsc

VOCAB = 1000000
DIM = 64
B = 4096
L = 200

NC = 2
NS = 16
NW = NC * NS
ROWS_W = B // NW
TOK_W = ROWS_W * L
NBUF = 2
NG = L // 16
REM = L % 16


@functools.partial(
    pl.kernel,
    out_type=jax.ShapeDtypeStruct((B, L, DIM), jnp.float32),
    mesh=plsc.VectorSubcoreMesh(core_axis_name="c", subcore_axis_name="s"),
    compiler_params=pltpu.CompilerParams(use_tc_tiling_on_sc=True),
    scratch_types=[
        pltpu.VMEM((TOK_W + 16,), jnp.int32),
        pltpu.VMEM((NBUF, L, DIM), jnp.float32),
        pltpu.SemaphoreType.DMA,
        pltpu.SemaphoreType.DMA,
        pltpu.SemaphoreType.DMA,
        pltpu.SemaphoreType.DMA,
    ],
)
def _emb_lookup(idx_hbm, table_hbm, out_hbm, idx_v, rows_v, g0, g1, w0, w1):
    gsem = (g0, g1)
    wsem = (w0, w1)
    wid = lax.axis_index("s") * NC + lax.axis_index("c")
    row0 = wid * ROWS_W
    base = row0 * L

    pltpu.sync_copy(idx_hbm.at[pl.ds(base, TOK_W)], idx_v.at[pl.ds(0, TOK_W)])

    def enqueue_row(i, b):
        def group(g, _):
            pos = i * L + g * 16
            v = idx_v[pl.ds(pos, 16)]
            for j in range(16):
                pltpu.make_async_copy(
                    table_hbm.at[v[j]],
                    rows_v.at[b, g * 16 + j],
                    gsem[b]).start()
            return 0
        lax.fori_loop(0, NG, group, 0)
        v = idx_v[pl.ds(i * L + NG * 16, 16)]
        for j in range(REM):
            pltpu.make_async_copy(
                table_hbm.at[v[j]],
                rows_v.at[b, NG * 16 + j],
                gsem[b]).start()

    def drain_row(b):
        pltpu.make_async_copy(
            table_hbm.at[pl.ds(0, L)], rows_v.at[b], gsem[b]).wait()

    def write_copy(i, b):
        return pltpu.make_async_copy(
            rows_v.at[b], out_hbm.at[row0 + i], wsem[b])

    def step(i2, _):
        for b in range(NBUF):
            i = i2 * NBUF + b

            @pl.when(i >= 2)
            def _():
                write_copy(i - 2, b).wait()

            enqueue_row(i, b)

            @pl.when(i >= 1)
            def _():
                drain_row(1 - b)
                write_copy(i - 1, 1 - b).start()
        return 0

    lax.fori_loop(0, ROWS_W // NBUF, step, 0)

    drain_row(1)
    write_copy(ROWS_W - 1, 1).start()
    write_copy(ROWS_W - 2, 0).wait()
    write_copy(ROWS_W - 1, 1).wait()


def kernel(token_ids, table):
    return _emb_lookup(token_ids.reshape(-1), table)

# --- scband reference (transcript-rebuilt; emitter-appended) ---
"""Pipeline reference for scband-token-embeddings-59176059404566 (READ-ONLY COPY).

The authoritative reference and input builder live on the scoring server;
editing this copy changes nothing except your own understanding.
"""

import jax, jax.numpy as jnp
import numpy as np

VOCAB = 1000000
DIM = 64
B = 4096
L = 200
PAD = 0


def setup_inputs(seed: int = 0) -> dict:
    key = jax.random.key(seed)
    k_idx, k_tab = jax.random.split(key)
    token_ids = jax.random.randint(k_idx, (B, L), 0, VOCAB, dtype=jnp.int32)
    table = jax.random.normal(k_tab, (VOCAB, DIM), dtype=jnp.float32) * 0.02
    # padding_idx row is zero-initialized in nn.Embedding
    table = table.at[PAD].set(0.0)
    return {"token_ids": token_ids, "table": table}


def reference(token_ids, table):
    # nn.Embedding forward: pure gather of rows from the table
    return jnp.take(table, token_ids, axis=0)

if __name__ == "__main__":
    import jax
    _d = setup_inputs()
    print(jax.jit(kernel)(*tuple(_d.values())))

</pallas_src>

<mosaic_0001>
#map = affine_map<(d0, d1) -> (0)>
#map1 = affine_map<(d0, d1) -> (0, 0)>
#map2 = affine_map<(d0, d1) -> (0, 0, 0)>
module attributes {stable_mosaic.version = 14 : i64} {
  func.func @_emb_lookup(%arg0: i32, %arg1: i32, %arg2: memref<819200xi32, #tpu.memory_space<hbm>>, %arg3: memref<1000000x64xf32, #tpu.memory_space<hbm>>, %arg4: memref<4096x200x64xf32, #tpu.memory_space<hbm>>, %arg5: memref<25616xi32, #tpu.memory_space<vmem>>, %arg6: memref<2x200x64xf32, #tpu.memory_space<vmem>>, %arg7: memref<!tpu.dma_semaphore, #tpu.memory_space<semaphore_mem>>, %arg8: memref<!tpu.dma_semaphore, #tpu.memory_space<semaphore_mem>>, %arg9: memref<!tpu.dma_semaphore, #tpu.memory_space<semaphore_mem>>, %arg10: memref<!tpu.dma_semaphore, #tpu.memory_space<semaphore_mem>>) attributes {dimension_semantics = [#tpu.dimension_semantics<core_parallel>, #tpu.dimension_semantics<subcore_parallel>], iteration_bounds = array<i64: 2, 16>, scalar_prefetch = 0 : i64, scratch_operands = 6 : i64, tpu.core_type = #tpu.core_type<sc_vector_subcore>, window_params = [{transform_indices = #map}, {transform_indices = #map1}, {transform_indices = #map2}]} {
    %mul3A = arith.constant 2 : i32
    %mul3A_0 = arith.muli %arg1, %mul3A : i32
    %add3A = arith.addi %mul3A_0, %arg0 : i32
    %mul3A_1 = arith.constant 128 : i32
    %mul3A_2 = arith.muli %add3A, %mul3A_1 : i32
    %mul3A_3 = arith.constant 200 : i32
    %mul3A_4 = arith.muli %mul3A_2, %mul3A_3 : i32
    "tpu.region"() ({
      %run_scoped3A = tpu.sem_alloc : memref<!tpu.dma_semaphore, #tpu.memory_space<semaphore_mem>>
      %dma_start3A_81 = arith.constant 0 : i32
      %dma_start3A_82 = tpu.memref_slice %arg5[%dma_start3A_81] : memref<25616xi32, #tpu.memory_space<vmem>> -> memref<25600xi32, #tpu.memory_space<vmem>>
      %dma_start3A_83 = tpu.memref_slice %arg2[%mul3A_4] : memref<819200xi32, #tpu.memory_space<hbm>> -> memref<25600xi32, #tpu.memory_space<hbm>>
      %dma_start3A_84 = arith.constant 0 : i32
      %dma_start3A_85 = tpu.memref_slice %arg5[%dma_start3A_84] : memref<25616xi32, #tpu.memory_space<vmem>> -> memref<25600xi32, #tpu.memory_space<vmem>>
      %dma_start3A_86 = tpu.memref_slice %arg2[%mul3A_4] : memref<819200xi32, #tpu.memory_space<hbm>> -> memref<25600xi32, #tpu.memory_space<hbm>>
      tpu.enqueue_dma source(%dma_start3A_86 : memref<25600xi32, #tpu.memory_space<hbm>>) target(%dma_start3A_85 : memref<25600xi32, #tpu.memory_space<vmem>>) target_semaphore(%run_scoped3A : memref<!tpu.dma_semaphore, #tpu.memory_space<semaphore_mem>>)
      %dma_wait3A_87 = arith.constant 0 : i32
      %dma_wait3A_88 = tpu.memref_slice %arg5[%dma_wait3A_87] : memref<25616xi32, #tpu.memory_space<vmem>> -> memref<25600xi32, #tpu.memory_space<vmem>>
      %dma_wait3A_89 = tpu.memref_slice %arg2[%mul3A_4] : memref<819200xi32, #tpu.memory_space<hbm>> -> memref<25600xi32, #tpu.memory_space<hbm>>
      %dma_wait3A_90 = arith.constant 0 : i32
      %dma_wait3A_91 = tpu.memref_slice %arg5[%dma_wait3A_90] : memref<25616xi32, #tpu.memory_space<vmem>> -> memref<25600xi32, #tpu.memory_space<vmem>>
      %dma_wait3A_92 = tpu.memref_slice %arg2[%mul3A_4] : memref<819200xi32, #tpu.memory_space<hbm>> -> memref<25600xi32, #tpu.memory_space<hbm>>
      tpu.wait_dma2 semaphore(%run_scoped3A : memref<!tpu.dma_semaphore, #tpu.memory_space<semaphore_mem>>) src(%dma_wait3A_92 : memref<25600xi32, #tpu.memory_space<hbm>>) dst(%dma_wait3A_91 : memref<25600xi32, #tpu.memory_space<vmem>>)
      tpu.yield
    }) : () -> ()
    %scan3A = arith.constant 0 : i32
    %scan3A_5 = arith.constant 0 : i32
    %scan3A_6 = arith.constant 64 : i32
    %scan3A_7 = arith.addi %scan3A_5, %scan3A_6 : i32
    %scan3A_8 = arith.constant 1 : i32
    %scan3A_9 = scf.for %scan3A_81 = %scan3A_5 to %scan3A_7 step %scan3A_8 iter_args(%scan3A_82 = %scan3A) -> (i32)  : i32 {
      %mul3A_83 = arith.constant 2 : i32
      %mul3A_84 = arith.muli %scan3A_81, %mul3A_83 : i32
      %add3A_85 = arith.constant 0 : i32
      %add3A_86 = arith.addi %mul3A_84, %add3A_85 : i32
      %ge3A = arith.constant 2 : i32
      %ge3A_87 = arith.cmpi sge, %add3A_86, %ge3A : i32
      %convert_element_type3A = arith.extui %ge3A_87 : i1 to i32
      %cond3A = arith.constant 0 : i32
      %cond3A_88 = arith.cmpi ne, %convert_element_type3A, %cond3A : i32
      scf.if %cond3A_88 {
        %sub3A = arith.constant 2 : i32
        %sub3A_390 = arith.subi %add3A_86, %sub3A : i32
        %add3A_391 = arith.addi %mul3A_2, %sub3A_390 : i32
        %dma_wait3A_392 = arith.constant 0 : i32
        %dma_wait3A_393 = arith.constant 0 : i32
        %dma_wait3A_394 = arith.constant 0 : i32
        %dma_wait3A_395 = tpu.memref_slice %arg6[%dma_wait3A_392, %dma_wait3A_393, %dma_wait3A_394] : memref<2x200x64xf32, #tpu.memory_space<vmem>> -> memref<1x200x64xf32, #tpu.memory_space<vmem>>
        %dma_wait3A_396 = tpu.memref_squeeze %dma_wait3A_395 : memref<1x200x64xf32, #tpu.memory_space<vmem>> -> memref<200x64xf32, #tpu.memory_space<vmem>>
        %dma_wait3A_397 = arith.constant 0 : i32
        %dma_wait3A_398 = arith.constant 0 : i32
        %dma_wait3A_399 = tpu.memref_slice %arg4[%add3A_391, %dma_wait3A_397, %dma_wait3A_398] : memref<4096x200x64xf32, #tpu.memory_space<hbm>> -> memref<1x200x64xf32, #tpu.memory_space<hbm>>
        %dma_wait3A_400 = tpu.memref_squeeze %dma_wait3A_399 : memref<1x200x64xf32, #tpu.memory_space<hbm>> -> memref<200x64xf32, #tpu.memory_space<hbm>>
        %dma_wait3A_401 = arith.constant 0 : i32
        %dma_wait3A_402 = arith.constant 0 : i32
        %dma_wait3A_403 = tpu.memref_slice %arg4[%add3A_391, %dma_wait3A_401, %dma_wait3A_402] : memref<4096x200x64xf32, #tpu.memory_space<hbm>> -> memref<1x200x64xf32, #tpu.memory_space<hbm>>
        %dma_wait3A_404 = tpu.memref_squeeze %dma_wait3A_403 : memref<1x200x64xf32, #tpu.memory_space<hbm>> -> memref<200x64xf32, #tpu.memory_space<hbm>>
        %dma_wait3A_405 = arith.constant 0 : i32
        %dma_wait3A_406 = arith.constant 0 : i32
        %dma_wait3A_407 = tpu.memref_slice %arg6[%dma_wait3A_392, %dma_wait3A_405, %dma_wait3A_406] : memref<2x200x64xf32, #tpu.memory_space<vmem>> -> memref<1x200x64xf32, #tpu.memory_space<vmem>>
        %dma_wait3A_408 = tpu.memref_squeeze %dma_wait3A_407 : memref<1x200x64xf32, #tpu.memory_space<vmem>> -> memref<200x64xf32, #tpu.memory_space<vmem>>
        tpu.wait_dma2 semaphore(%arg9 : memref<!tpu.dma_semaphore, #tpu.memory_space<semaphore_mem>>) src(%dma_wait3A_408 : memref<200x64xf32, #tpu.memory_space<vmem>>) dst(%dma_wait3A_404 : memref<200x64xf32, #tpu.memory_space<hbm>>)
      } else {
      }
      %scan3A_89 = arith.constant 0 : i32
      %scan3A_90 = arith.constant 0 : i32
      %scan3A_91 = arith.constant 12 : i32
      %scan3A_92 = arith.addi %scan3A_90, %scan3A_91 : i32
      %scan3A_93 = arith.constant 1 : i32
      %scan3A_94 = scf.for %scan3A_390 = %scan3A_90 to %scan3A_92 step %scan3A_93 iter_args(%scan3A_391 = %scan3A_89) -> (i32)  : i32 {
        %mul3A_392 = arith.constant 200 : i32
        %mul3A_393 = arith.muli %add3A_86, %mul3A_392 : i32
        %mul3A_394 = arith.constant 16 : i32
        %mul3A_395 = arith.muli %scan3A_390, %mul3A_394 : i32
        %add3A_396 = arith.addi %mul3A_393, %mul3A_395 : i32
        %get3A_397 = arith.index_cast %add3A_396 : i32 to index
        %get3A_398 = tpu.vector_load %arg5[%get3A_397] {strides = array<i32>} : memref<25616xi32, #tpu.memory_space<vmem>>, vector<16xi32>,
        %get3A_399 = vector.shape_cast %get3A_398 : vector<16xi32> to vector<16xi32>
        %slice3A_400 = vector.extract_strided_slice %get3A_399 {offsets = [0], sizes = [1], strides = [1]} : vector<16xi32> to vector<1xi32>
        %squeeze3A_401 = vector.extract %slice3A_400[0] : i32 from vector<1xi32>
        %mul3A_402 = arith.constant 16 : i32
        %mul3A_403 = arith.muli %scan3A_390, %mul3A_402 : i32
        %add3A_404 = arith.constant 0 : i32
        %add3A_405 = arith.addi %mul3A_403, %add3A_404 : i32
        %dma_start3A_406 = arith.constant 0 : i32
        %dma_start3A_407 = arith.constant 0 : i32
        %dma_start3A_408 = tpu.memref_slice %arg6[%dma_start3A_406, %add3A_405, %dma_start3A_407] : memref<2x200x64xf32, #tpu.memory_space<vmem>> -> memref<1x1x64xf32, #tpu.memory_space<vmem>>
        %dma_start3A_409 = tpu.memref_squeeze %dma_start3A_408 : memref<1x1x64xf32, #tpu.memory_space<vmem>> -> memref<64xf32, #tpu.memory_space<vmem>>
        %dma_start3A_410 = arith.constant 0 : i32
        %dma_start3A_411 = tpu.memref_slice %arg3[%squeeze3A_401, %dma_start3A_410] : memref<1000000x64xf32, #tpu.memory_space<hbm>> -> memref<1x64xf32, #tpu.memory_space<hbm>>
        %dma_start3A_412 = tpu.memref_squeeze %dma_start3A_411 : memref<1x64xf32, #tpu.memory_space<hbm>> -> memref<64xf32, #tpu.memory_space<hbm>>
        %dma_start3A_413 = arith.constant 0 : i32
        %dma_start3A_414 = tpu.memref_slice %arg6[%dma_start3A_406, %add3A_405, %dma_start3A_413] : memref<2x200x64xf32, #tpu.memory_space<vmem>> -> memref<1x1x64xf32, #tpu.memory_space<vmem>>
        %dma_start3A_415 = tpu.memref_squeeze %dma_start3A_414 : memref<1x1x64xf32, #tpu.memory_space<vmem>> -> memref<64xf32, #tpu.memory_space<vmem>>
        %dma_start3A_416 = arith.constant 0 : i32
        %dma_start3A_417 = tpu.memref_slice %arg3[%squeeze3A_401, %dma_start3A_416] : memref<1000000x64xf32, #tpu.memory_space<hbm>> -> memref<1x64xf32, #tpu.memory_space<hbm>>
        %dma_start3A_418 = tpu.memref_squeeze %dma_start3A_417 : memref<1x64xf32, #tpu.memory_space<hbm>> -> memref<64xf32, #tpu.memory_space<hbm>>
        tpu.enqueue_dma source(%dma_start3A_418 : memref<64xf32, #tpu.memory_space<hbm>>) target(%dma_start3A_415 : memref<64xf32, #tpu.memory_space<vmem>>) target_semaphore(%arg7 : memref<!tpu.dma_semaphore, #tpu.memory_space<semaphore_mem>>)
        %slice3A_419 = vector.extract_strided_slice %get3A_399 {offsets = [1], sizes = [1], strides = [1]} : vector<16xi32> to vector<1xi32>
        %squeeze3A_420 = vector.extract %slice3A_419[0] : i32 from vector<1xi32>
        %mul3A_421 = arith.constant 16 : i32
        %mul3A_422 = arith.muli %scan3A_390, %mul3A_421 : i32
        %add3A_423 = arith.constant 1 : i32
        %add3A_424 = arith.addi %mul3A_422, %add3A_423 : i32
        %dma_start3A_425 = arith.constant 0 : i32
        %dma_start3A_426 = arith.constant 0 : i32
        %dma_start3A_427 = tpu.memref_slice %arg6[%dma_start3A_425, %add3A_424, %dma_start3A_426] : memref<2x200x64xf32, #tpu.memory_space<vmem>> -> memref<1x1x64xf32, #tpu.memory_space<vmem>>
        %dma_start3A_428 = tpu.memref_squeeze %dma_start3A_427 : memref<1x1x64xf32, #tpu.memory_space<vmem>> -> memref<64xf32, #tpu.memory_space<vmem>>
        %dma_start3A_429 = arith.constant 0 : i32
        %dma_start3A_430 = tpu.memref_slice %arg3[%squeeze3A_420, %dma_start3A_429] : memref<1000000x64xf32, #tpu.memory_space<hbm>> -> memref<1x64xf32, #tpu.memory_space<hbm>>
        %dma_start3A_431 = tpu.memref_squeeze %dma_start3A_430 : memref<1x64xf32, #tpu.memory_space<hbm>> -> memref<64xf32, #tpu.memory_space<hbm>>
        %dma_start3A_432 = arith.constant 0 : i32
        %dma_start3A_433 = tpu.memref_slice %arg6[%dma_start3A_425, %add3A_424, %dma_start3A_432] : memref<2x200x64xf32, #tpu.memory_space<vmem>> -> memref<1x1x64xf32, #tpu.memory_space<vmem>>
        %dma_start3A_434 = tpu.memref_squeeze %dma_start3A_433 : memref<1x1x64xf32, #tpu.memory_space<vmem>> -> memref<64xf32, #tpu.memory_space<vmem>>
        %dma_start3A_435 = arith.constant 0 : i32
        %dma_start3A_436 = tpu.memref_slice %arg3[%squeeze3A_420, %dma_start3A_435] : memref<1000000x64xf32, #tpu.memory_space<hbm>> -> memref<1x64xf32, #tpu.memory_space<hbm>>
        %dma_start3A_437 = tpu.memref_squeeze %dma_start3A_436 : memref<1x64xf32, #tpu.memory_space<hbm>> -> memref<64xf32, #tpu.memory_space<hbm>>
        tpu.enqueue_dma source(%dma_start3A_437 : memref<64xf32, #tpu.memory_space<hbm>>) target(%dma_start3A_434 : memref<64xf32, #tpu.memory_space<vmem>>) target_semaphore(%arg7 : memref<!tpu.dma_semaphore, #tpu.memory_space<semaphore_mem>>)
        %slice3A_438 = vector.extract_strided_slice %get3A_399 {offsets = [2], sizes = [1], strides = [1]} : vector<16xi32> to vector<1xi32>
        %squeeze3A_439 = vector.extract %slice3A_438[0] : i32 from vector<1xi32>
        %mul3A_440 = arith.constant 16 : i32
        %mul3A_441 = arith.muli %scan3A_390, %mul3A_440 : i32
        %add3A_442 = arith.constant 2 : i32
        %add3A_443 = arith.addi %mul3A_441, %add3A_442 : i32
        %dma_start3A_444 = arith.constant 0 : i32
        %dma_start3A_445 = arith.constant 0 : i32
        %dma_start3A_446 = tpu.memref_slice %arg6[%dma_start3A_444, %add3A_443, %dma_start3A_445] : memref<2x200x64xf32, #tpu.memory_space<vmem>> -> memref<1x1x64xf32, #tpu.memory_space<vmem>>
        %dma_start3A_447 = tpu.memref_squeeze %dma_start3A_446 : memref<1x1x64xf32, #tpu.memory_space<vmem>> -> memref<64xf32, #tpu.memory_space<vmem>>
        %dma_start3A_448 = arith.constant 0 : i32
        %dma_start3A_449 = tpu.memref_slice %arg3[%squeeze3A_439, %dma_start3A_448] : memref<1000000x64xf32, #tpu.memory_space<hbm>> -> memref<1x64xf32, #tpu.memory_space<hbm>>
        %dma_start3A_450 = tpu.memref_squeeze %dma_start3A_449 : memref<1x64xf32, #tpu.memory_space<hbm>> -> memref<64xf32, #tpu.memory_space<hbm>>
        %dma_start3A_451 = arith.constant 0 : i32
        %dma_start3A_452 = tpu.memref_slice %arg6[%dma_start3A_444, %add3A_443, %dma_start3A_451] : memref<2x200x64xf32, #tpu.memory_space<vmem>> -> memref<1x1x64xf32, #tpu.memory_space<vmem>>
        %dma_start3A_453 = tpu.memref_squeeze %dma_start3A_452 : memref<1x1x64xf32, #tpu.memory_space<vmem>> -> memref<64xf32, #tpu.memory_space<vmem>>
        %dma_start3A_454 = arith.constant 0 : i32
        %dma_start3A_455 = tpu.memref_slice %arg3[%squeeze3A_439, %dma_start3A_454] : memref<1000000x64xf32, #tpu.memory_space<hbm>> -> memref<1x64xf32, #tpu.memory_space<hbm>>
        %dma_start3A_456 = tpu.memref_squeeze %dma_start3A_455 : memref<1x64xf32, #tpu.memory_space<hbm>> -> memref<64xf32, #tpu.memory_space<hbm>>
        tpu.enqueue_dma source(%dma_start3A_456 : memref<64xf32, #tpu.memory_space<hbm>>) target(%dma_start3A_453 : memref<64xf32, #tpu.memory_space<vmem>>) target_semaphore(%arg7 : memref<!tpu.dma_semaphore, #tpu.memory_space<semaphore_mem>>)
        %slice3A_457 = vector.extract_strided_slice %get3A_399 {offsets = [3], sizes = [1], strides = [1]} : vector<16xi32> to vector<1xi32>
        %squeeze3A_458 = vector.extract %slice3A_457[0] : i32 from vector<1xi32>
        %mul3A_459 = arith.constant 16 : i32
        %mul3A_460 = arith.muli %scan3A_390, %mul3A_459 : i32
        %add3A_461 = arith.constant 3 : i32
        %add3A_462 = arith.addi %mul3A_460, %add3A_461 : i32
        %dma_start3A_463 = arith.constant 0 : i32
        %dma_start3A_464 = arith.constant 0 : i32
        %dma_start3A_465 = tpu.memref_slice %arg6[%dma_start3A_463, %add3A_462, %dma_start3A_464] : memref<2x200x64xf32, #tpu.memory_space<vmem>> -> memref<1x1x64xf32, #tpu.memory_space<vmem>>
        %dma_start3A_466 = tpu.memref_squeeze %dma_start3A_465 : memref<1x1x64xf32, #tpu.memory_space<vmem>> -> memref<64xf32, #tpu.memory_space<vmem>>
        %dma_start3A_467 = arith.constant 0 : i32
        %dma_start3A_468 = tpu.memref_slice %arg3[%squeeze3A_458, %dma_start3A_467] : memref<1000000x64xf32, #tpu.memory_space<hbm>> -> memref<1x64xf32, #tpu.memory_space<hbm>>
        %dma_start3A_469 = tpu.memref_squeeze %dma_start3A_468 : memref<1x64xf32, #tpu.memory_space<hbm>> -> memref<64xf32, #tpu.memory_space<hbm>>
        %dma_start3A_470 = arith.constant 0 : i32
        %dma_start3A_471 = tpu.memref_slice %arg6[%dma_start3A_463, %add3A_462, %dma_start3A_470] : memref<2x200x64xf32, #tpu.memory_space<vmem>> -> memref<1x1x64xf32, #tpu.memory_space<vmem>>
        %dma_start3A_472 = tpu.memref_squeeze %dma_start3A_471 : memref<1x1x64xf32, #tpu.memory_space<vmem>> -> memref<64xf32, #tpu.memory_space<vmem>>
        %dma_start3A_473 = arith.constant 0 : i32
        %dma_start3A_474 = tpu.memref_slice %arg3[%squeeze3A_458, %dma_start3A_473] : memref<1000000x64xf32, #tpu.memory_space<hbm>> -> memref<1x64xf32, #tpu.memory_space<hbm>>
        %dma_start3A_475 = tpu.memref_squeeze %dma_start3A_474 : memref<1x64xf32, #tpu.memory_space<hbm>> -> memref<64xf32, #tpu.memory_space<hbm>>
        tpu.enqueue_dma source(%dma_start3A_475 : memref<64xf32, #tpu.memory_space<hbm>>) target(%dma_start3A_472 : memref<64xf32, #tpu.memory_space<vmem>>) target_semaphore(%arg7 : memref<!tpu.dma_semaphore, #tpu.memory_space<semaphore_mem>>)
        %slice3A_476 = vector.extract_strided_slice %get3A_399 {offsets = [4], sizes = [1], strides = [1]} : vector<16xi32> to vector<1xi32>
        %squeeze3A_477 = vector.extract %slice3A_476[0] : i32 from vector<1xi32>
        %mul3A_478 = arith.constant 16 : i32
        %mul3A_479 = arith.muli %scan3A_390, %mul3A_478 : i32
        %add3A_480 = arith.constant 4 : i32
        %add3A_481 = arith.addi %mul3A_479, %add3A_480 : i32
        %dma_start3A_482 = arith.constant 0 : i32
        %dma_start3A_483 = arith.constant 0 : i32
        %dma_start3A_484 = tpu.memref_slice %arg6[%dma_start3A_482, %add3A_481, %dma_start3A_483] : memref<2x200x64xf32, #tpu.memory_space<vmem>> -> memref<1x1x64xf32, #tpu.memory_space<vmem>>
        %dma_start3A_485 = tpu.memref_squeeze %dma_start3A_484 : memref<1x1x64xf32, #tpu.memory_space<vmem>> -> memref<64xf32, #tpu.memory_space<vmem>>
        %dma_start3A_486 = arith.constant 0 : i32
        %dma_start3A_487 = tpu.memref_slice %arg3[%squeeze3A_477, %dma_start3A_486] : memref<1000000x64xf32, #tpu.memory_space<hbm>> -> memref<1x64xf32, #tpu.memory_space<hbm>>
        %dma_start3A_488 = tpu.memref_squeeze %dma_start3A_487 : memref<1x64xf32, #tpu.memory_space<hbm>> -> memref<64xf32, #tpu.memory_space<hbm>>
        %dma_start3A_489 = arith.constant 0 : i32
        %dma_start3A_490 = tpu.memref_slice %arg6[%dma_start3A_482, %add3A_481, %dma_start3A_489] : memref<2x200x64xf32, #tpu.memory_space<vmem>> -> memref<1x1x64xf32, #tpu.memory_space<vmem>>
        %dma_start3A_491 = tpu.memref_squeeze %dma_start3A_490 : memref<1x1x64xf32, #tpu.memory_space<vmem>> -> memref<64xf32, #tpu.memory_space<vmem>>
        %dma_start3A_492 = arith.constant 0 : i32
        %dma_start3A_493 = tpu.memref_slice %arg3[%squeeze3A_477, %dma_start3A_492] : memref<1000000x64xf32, #tpu.memory_space<hbm>> -> memref<1x64xf32, #tpu.memory_space<hbm>>
        %dma_start3A_494 = tpu.memref_squeeze %dma_start3A_493 : memref<1x64xf32, #tpu.memory_space<hbm>> -> memref<64xf32, #tpu.memory_space<hbm>>
        tpu.enqueue_dma source(%dma_start3A_494 : memref<64xf32, #tpu.memory_space<hbm>>) target(%dma_start3A_491 : memref<64xf32, #tpu.memory_space<vmem>>) target_semaphore(%arg7 : memref<!tpu.dma_semaphore, #tpu.memory_space<semaphore_mem>>)
        %slice3A_495 = vector.extract_strided_slice %get3A_399 {offsets = [5], sizes = [1], strides = [1]} : vector<16xi32> to vector<1xi32>
        %squeeze3A_496 = vector.extract %slice3A_495[0] : i32 from vector<1xi32>
        %mul3A_497 = arith.constant 16 : i32
        %mul3A_498 = arith.muli %scan3A_390, %mul3A_497 : i32
        %add3A_499 = arith.constant 5 : i32
        %add3A_500 = arith.addi %mul3A_498, %add3A_499 : i32
        %dma_start3A_501 = arith.constant 0 : i32
        %dma_start3A_502 = arith.constant 0 : i32
        %dma_start3A_503 = tpu.memref_slice %arg6[%dma_start3A_501, %add3A_500, %dma_start3A_502] : memref<2x200x64xf32, #tpu.memory_space<vmem>> -> memref<1x1x64xf32, #tpu.memory_space<vmem>>
        %dma_start3A_504 = tpu.memref_squeeze %dma_start3A_503 : memref<1x1x64xf32, #tpu.memory_space<vmem>> -> memref<64xf32, #tpu.memory_space<vmem>>
        %dma_start3A_505 = arith.constant 0 : i32
        %dma_start3A_506 = tpu.memref_slice %arg3[%squeeze3A_496, %dma_start3A_505] : memref<1000000x64xf32, #tpu.memory_space<hbm>> -> memref<1x64xf32, #tpu.memory_space<hbm>>
        %dma_start3A_507 = tpu.memref_squeeze %dma_start3A_506 : memref<1x64xf32, #tpu.memory_space<hbm>> -> memref<64xf32, #tpu.memory_space<hbm>>
        %dma_start3A_508 = arith.constant 0 : i32
        %dma_start3A_509 = tpu.memref_slice %arg6[%dma_start3A_501, %add3A_500, %dma_start3A_508] : memref<2x200x64xf32, #tpu.memory_space<vmem>> -> memref<1x1x64xf32, #tpu.memory_space<vmem>>
        %dma_start3A_510 = tpu.memref_squeeze %dma_start3A_509 : memref<1x1x64xf32, #tpu.memory_space<vmem>> -> memref<64xf32, #tpu.memory_space<vmem>>
        %dma_start3A_511 = arith.constant 0 : i32
        %dma_start3A_512 = tpu.memref_slice %arg3[%squeeze3A_496, %dma_start3A_511] : memref<1000000x64xf32, #tpu.memory_space<hbm>> -> memref<1x64xf32, #tpu.memory_space<hbm>>
        %dma_start3A_513 = tpu.memref_squeeze %dma_start3A_512 : memref<1x64xf32, #tpu.memory_space<hbm>> -> memref<64xf32, #tpu.memory_space<hbm>>
        tpu.enqueue_dma source(%dma_start3A_513 : memref<64xf32, #tpu.memory_space<hbm>>) target(%dma_start3A_510 : memref<64xf32, #tpu.memory_space<vmem>>) target_semaphore(%arg7 : memref<!tpu.dma_semaphore, #tpu.memory_space<semaphore_mem>>)
        %slice3A_514 = vector.extract_strided_slice %get3A_399 {offsets = [6], sizes = [1], strides = [1]} : vector<16xi32> to vector<1xi32>
        %squeeze3A_515 = vector.extract %slice3A_514[0] : i32 from vector<1xi32>
        %mul3A_516 = arith.constant 16 : i32
        %mul3A_517 = arith.muli %scan3A_390, %mul3A_516 : i32
        %add3A_518 = arith.constant 6 : i32
        %add3A_519 = arith.addi %mul3A_517, %add3A_518 : i32
        %dma_start3A_520 = arith.constant 0 : i32
        %dma_start3A_521 = arith.constant 0 : i32
        %dma_start3A_522 = tpu.memref_slice %arg6[%dma_start3A_520, %add3A_519, %dma_start3A_521] : memref<2x200x64xf32, #tpu.memory_space<vmem>> -> memref<1x1x64xf32, #tpu.memory_space<vmem>>
        %dma_start3A_523 = tpu.memref_squeeze %dma_start3A_522 : memref<1x1x64xf32, #tpu.memory_space<vmem>> -> memref<64xf32, #tpu.memory_space<vmem>>
        %dma_start3A_524 = arith.constant 0 : i32
        %dma_start3A_525 = tpu.memref_slice %arg3[%squeeze3A_515, %dma_start3A_524] : memref<1000000x64xf32, #tpu.memory_space<hbm>> -> memref<1x64xf32, #tpu.memory_space<hbm>>
        %dma_start3A_526 = tpu.memref_squeeze %dma_start3A_525 : memref<1x64xf32, #tpu.memory_space<hbm>> -> memref<64xf32, #tpu.memory_space<hbm>>
        %dma_start3A_527 = arith.constant 0 : i32
        %dma_start3A_528 = tpu.memref_slice %arg6[%dma_start3A_520, %add3A_519, %dma_start3A_527] : memref<2x200x64xf32, #tpu.memory_space<vmem>> -> memref<1x1x64xf32, #tpu.memory_space<vmem>>
        %dma_start3A_529 = tpu.memref_squeeze %dma_start3A_528 : memref<1x1x64xf32, #tpu.memory_space<vmem>> -> memref<64xf32, #tpu.memory_space<vmem>>
        %dma_start3A_530 = arith.constant 0 : i32
        %dma_start3A_531 = tpu.memref_slice %arg3[%squeeze3A_515, %dma_start3A_530] : memref<1000000x64xf32, #tpu.memory_space<hbm>> -> memref<1x64xf32, #tpu.memory_space<hbm>>
        %dma_start3A_532 = tpu.memref_squeeze %dma_start3A_531 : memref<1x64xf32, #tpu.memory_space<hbm>> -> memref<64xf32, #tpu.memory_space<hbm>>
        tpu.enqueue_dma source(%dma_start3A_532 : memref<64xf32, #tpu.memory_space<hbm>>) target(%dma_start3A_529 : memref<64xf32, #tpu.memory_space<vmem>>) target_semaphore(%arg7 : memref<!tpu.dma_semaphore, #tpu.memory_space<semaphore_mem>>)
        %slice3A_533 = vector.extract_strided_slice %get3A_399 {offsets = [7], sizes = [1], strides = [1]} : vector<16xi32> to vector<1xi32>
        %squeeze3A_534 = vector.extract %slice3A_533[0] : i32 from vector<1xi32>
        %mul3A_535 = arith.constant 16 : i32
        %mul3A_536 = arith.muli %scan3A_390, %mul3A_535 : i32
        %add3A_537 = arith.constant 7 : i32
        %add3A_538 = arith.addi %mul3A_536, %add3A_537 : i32
        %dma_start3A_539 = arith.constant 0 : i32
        %dma_start3A_540 = arith.constant 0 : i32
        %dma_start3A_541 = tpu.memref_slice %arg6[%dma_start3A_539, %add3A_538, %dma_start3A_540] : memref<2x200x64xf32, #tpu.memory_space<vmem>> -> memref<1x1x64xf32, #tpu.memory_space<vmem>>
        %dma_start3A_542 = tpu.memref_squeeze %dma_start3A_541 : memref<1x1x64xf32, #tpu.memory_space<vmem>> -> memref<64xf32, #tpu.memory_space<vmem>>
        %dma_start3A_543 = arith.constant 0 : i32
        %dma_start3A_544 = tpu.memref_slice %arg3[%squeeze3A_534, %dma_start3A_543] : memref<1000000x64xf32, #tpu.memory_space<hbm>> -> memref<1x64xf32, #tpu.memory_space<hbm>>
        %dma_start3A_545 = tpu.memref_squeeze %dma_start3A_544 : memref<1x64xf32, #tpu.memory_space<hbm>> -> memref<64xf32, #tpu.memory_space<hbm>>
        %dma_start3A_546 = arith.constant 0 : i32
        %dma_start3A_547 = tpu.memref_slice %arg6[%dma_start3A_539, %add3A_538, %dma_start3A_546] : memref<2x200x64xf32, #tpu.memory_space<vmem>> -> memref<1x1x64xf32, #tpu.memory_space<vmem>>
        %dma_start3A_548 = tpu.memref_squeeze %dma_start3A_547 : memref<1x1x64xf32, #tpu.memory_space<vmem>> -> memref<64xf32, #tpu.memory_space<vmem>>
        %dma_start3A_549 = arith.constant 0 : i32
        %dma_start3A_550 = tpu.memref_slice %arg3[%squeeze3A_534, %dma_start3A_549] : memref<1000000x64xf32, #tpu.memory_space<hbm>> -> memref<1x64xf32, #tpu.memory_space<hbm>>
        %dma_start3A_551 = tpu.memref_squeeze %dma_start3A_550 : memref<1x64xf32, #tpu.memory_space<hbm>> -> memref<64xf32, #tpu.memory_space<hbm>>
        tpu.enqueue_dma source(%dma_start3A_551 : memref<64xf32, #tpu.memory_space<hbm>>) target(%dma_start3A_548 : memref<64xf32, #tpu.memory_space<vmem>>) target_semaphore(%arg7 : memref<!tpu.dma_semaphore, #tpu.memory_space<semaphore_mem>>)
        %slice3A_552 = vector.extract_strided_slice %get3A_399 {offsets = [8], sizes = [1], strides = [1]} : vector<16xi32> to vector<1xi32>
        %squeeze3A_553 = vector.extract %slice3A_552[0] : i32 from vector<1xi32>
        %mul3A_554 = arith.constant 16 : i32
        %mul3A_555 = arith.muli %scan3A_390, %mul3A_554 : i32
        %add3A_556 = arith.constant 8 : i32
        %add3A_557 = arith.addi %mul3A_555, %add3A_556 : i32
        %dma_start3A_558 = arith.constant 0 : i32
        %dma_start3A_559 = arith.constant 0 : i32
        %dma_start3A_560 = tpu.memref_slice %arg6[%dma_start3A_558, %add3A_557, %dma_start3A_559] : memref<2x200x64xf32, #tpu.memory_space<vmem>> -> memref<1x1x64xf32, #tpu.memory_space<vmem>>
        %dma_start3A_561 = tpu.memref_squeeze %dma_start3A_560 : memref<1x1x64xf32, #tpu.memory_space<vmem>> -> memref<64xf32, #tpu.memory_space<vmem>>
        %dma_start3A_562 = arith.constant 0 : i32
        %dma_start3A_563 = tpu.memref_slice %arg3[%squeeze3A_553, %dma_start3A_562] : memref<1000000x64xf32, #tpu.memory_space<hbm>> -> memref<1x64xf32, #tpu.memory_space<hbm>>
        %dma_start3A_564 = tpu.memref_squeeze %dma_start3A_563 : memref<1x64xf32, #tpu.memory_space<hbm>> -> memref<64xf32, #tpu.memory_space<hbm>>
        %dma_start3A_565 = arith.constant 0 : i32
        %dma_start3A_566 = tpu.memref_slice %arg6[%dma_start3A_558, %add3A_557, %dma_start3A_565] : memref<2x200x64xf32, #tpu.memory_space<vmem>> -> memref<1x1x64xf32, #tpu.memory_space<vmem>>
        %dma_start3A_567 = tpu.memref_squeeze %dma_start3A_566 : memref<1x1x64xf32, #tpu.memory_space<vmem>> -> memref<64xf32, #tpu.memory_space<vmem>>
        %dma_start3A_568 = arith.constant 0 : i32
        %dma_start3A_569 = tpu.memref_slice %arg3[%squeeze3A_553, %dma_start3A_568] : memref<1000000x64xf32, #tpu.memory_space<hbm>> -> memref<1x64xf32, #tpu.memory_space<hbm>>
        %dma_start3A_570 = tpu.memref_squeeze %dma_start3A_569 : memref<1x64xf32, #tpu.memory_space<hbm>> -> memref<64xf32, #tpu.memory_space<hbm>>
        tpu.enqueue_dma source(%dma_start3A_570 : memref<64xf32, #tpu.memory_space<hbm>>) target(%dma_start3A_567 : memref<64xf32, #tpu.memory_space<vmem>>) target_semaphore(%arg7 : memref<!tpu.dma_semaphore, #tpu.memory_space<semaphore_mem>>)
        %slice3A_571 = vector.extract_strided_slice %get3A_399 {offsets = [9], sizes = [1], strides = [1]} : vector<16xi32> to vector<1xi32>
        %squeeze3A_572 = vector.extract %slice3A_571[0] : i32 from vector<1xi32>
        %mul3A_573 = arith.constant 16 : i32
        %mul3A_574 = arith.muli %scan3A_390, %mul3A_573 : i32
        %add3A_575 = arith.constant 9 : i32
        %add3A_576 = arith.addi %mul3A_574, %add3A_575 : i32
        %dma_start3A_577 = arith.constant 0 : i32
        %dma_start3A_578 = arith.constant 0 : i32
        %dma_start3A_579 = tpu.memref_slice %arg6[%dma_start3A_577, %add3A_576, %dma_start3A_578] : memref<2x200x64xf32, #tpu.memory_space<vmem>> -> memref<1x1x64xf32, #tpu.memory_space<vmem>>
        %dma_start3A_580 = tpu.memref_squeeze %dma_start3A_579 : memref<1x1x64xf32, #tpu.memory_space<vmem>> -> memref<64xf32, #tpu.memory_space<vmem>>
        %dma_start3A_581 = arith.constant 0 : i32
        %dma_start3A_582 = tpu.memref_slice %arg3[%squeeze3A_572, %dma_start3A_581] : memref<1000000x64xf32, #tpu.memory_space<hbm>> -> memref<1x64xf32, #tpu.memory_space<hbm>>
        %dma_start3A_583 = tpu.memref_squeeze %dma_start3A_582 : memref<1x64xf32, #tpu.memory_space<hbm>> -> memref<64xf32, #tpu.memory_space<hbm>>
        %dma_start3A_584 = arith.constant 0 : i32
        %dma_start3A_585 = tpu.memref_slice %arg6[%dma_start3A_577, %add3A_576, %dma_start3A_584] : memref<2x200x64xf32, #tpu.memory_space<vmem>> -> memref<1x1x64xf32, #tpu.memory_space<vmem>>
        %dma_start3A_586 = tpu.memref_squeeze %dma_start3A_585 : memref<1x1x64xf32, #tpu.memory_space<vmem>> -> memref<64xf32, #tpu.memory_space<vmem>>
        %dma_start3A_587 = arith.constant 0 : i32
        %dma_start3A_588 = tpu.memref_slice %arg3[%squeeze3A_572, %dma_start3A_587] : memref<1000000x64xf32, #tpu.memory_space<hbm>> -> memref<1x64xf32, #tpu.memory_space<hbm>>
        %dma_start3A_589 = tpu.memref_squeeze %dma_start3A_588 : memref<1x64xf32, #tpu.memory_space<hbm>> -> memref<64xf32, #tpu.memory_space<hbm>>
        tpu.enqueue_dma source(%dma_start3A_589 : memref<64xf32, #tpu.memory_space<hbm>>) target(%dma_start3A_586 : memref<64xf32, #tpu.memory_space<vmem>>) target_semaphore(%arg7 : memref<!tpu.dma_semaphore, #tpu.memory_space<semaphore_mem>>)
        %slice3A_590 = vector.extract_strided_slice %get3A_399 {offsets = [10], sizes = [1], strides = [1]} : vector<16xi32> to vector<1xi32>
        %squeeze3A_591 = vector.extract %slice3A_590[0] : i32 from vector<1xi32>
        %mul3A_592 = arith.constant 16 : i32
        %mul3A_593 = arith.muli %scan3A_390, %mul3A_592 : i32
        %add3A_594 = arith.constant 10 : i32
        %add3A_595 = arith.addi %mul3A_593, %add3A_594 : i32
        %dma_start3A_596 = arith.constant 0 : i32
        %dma_start3A_597 = arith.constant 0 : i32
        %dma_start3A_598 = tpu.memref_slice %arg6[%dma_start3A_596, %add3A_595, %dma_start3A_597] : memref<2x200x64xf32, #tpu.memory_space<vmem>> -> memref<1x1x64xf32, #tpu.memory_space<vmem>>
        %dma_start3A_599 = tpu.memref_squeeze %dma_start3A_598 : memref<1x1x64xf32, #tpu.memory_space<vmem>> -> memref<64xf32, #tpu.memory_space<vmem>>
        %dma_start3A_600 = arith.constant 0 : i32
        %dma_start3A_601 = tpu.memref_slice %arg3[%squeeze3A_591, %dma_start3A_600] : memref<1000000x64xf32, #tpu.memory_space<hbm>> -> memref<1x64xf32, #tpu.memory_space<hbm>>
        %dma_start3A_602 = tpu.memref_squeeze %dma_start3A_601 : memref<1x64xf32, #tpu.memory_space<hbm>> -> memref<64xf32, #tpu.memory_space<hbm>>
        %dma_start3A_603 = arith.constant 0 : i32
        %dma_start3A_604 = tpu.memref_slice %arg6[%dma_start3A_596, %add3A_595, %dma_start3A_603] : memref<2x200x64xf32, #tpu.memory_space<vmem>> -> memref<1x1x64xf32, #tpu.memory_space<vmem>>
        %dma_start3A_605 = tpu.memref_squeeze %dma_start3A_604 : memref<1x1x64xf32, #tpu.memory_space<vmem>> -> memref<64xf32, #tpu.memory_space<vmem>>
        %dma_start3A_606 = arith.constant 0 : i32
        %dma_start3A_607 = tpu.memref_slice %arg3[%squeeze3A_591, %dma_start3A_606] : memref<1000000x64xf32, #tpu.memory_space<hbm>> -> memref<1x64xf32, #tpu.memory_space<hbm>>
        %dma_start3A_608 = tpu.memref_squeeze %dma_start3A_607 : memref<1x64xf32, #tpu.memory_space<hbm>> -> memref<64xf32, #tpu.memory_space<hbm>>
        tpu.enqueue_dma source(%dma_start3A_608 : memref<64xf32, #tpu.memory_space<hbm>>) target(%dma_start3A_605 : memref<64xf32, #tpu.memory_space<vmem>>) target_semaphore(%arg7 : memref<!tpu.dma_semaphore, #tpu.memory_space<semaphore_mem>>)
        %slice3A_609 = vector.extract_strided_slice %get3A_399 {offsets = [11], sizes = [1], strides = [1]} : vector<16xi32> to vector<1xi32>
        %squeeze3A_610 = vector.extract %slice3A_609[0] : i32 from vector<1xi32>
        %mul3A_611 = arith.constant 16 : i32
        %mul3A_612 = arith.muli %scan3A_390, %mul3A_611 : i32
        %add3A_613 = arith.constant 11 : i32
        %add3A_614 = arith.addi %mul3A_612, %add3A_613 : i32
        %dma_start3A_615 = arith.constant 0 : i32
        %dma_start3A_616 = arith.constant 0 : i32
        %dma_start3A_617 = tpu.memref_slice %arg6[%dma_start3A_615, %add3A_614, %dma_start3A_616] : memref<2x200x64xf32, #tpu.memory_space<vmem>> -> memref<1x1x64xf32, #tpu.memory_space<vmem>>
        %dma_start3A_618 = tpu.memref_squeeze %dma_start3A_617 : memref<1x1x64xf32, #tpu.memory_space<vmem>> -> memref<64xf32, #tpu.memory_space<vmem>>
        %dma_start3A_619 = arith.constant 0 : i32
        %dma_start3A_620 = tpu.memref_slice %arg3[%squeeze3A_610, %dma_start3A_619] : memref<1000000x64xf32, #tpu.memory_space<hbm>> -> memref<1x64xf32, #tpu.memory_space<hbm>>
        %dma_start3A_621 = tpu.memref_squeeze %dma_start3A_620 : memref<1x64xf32, #tpu.memory_space<hbm>> -> memref<64xf32, #tpu.memory_space<hbm>>
        %dma_start3A_622 = arith.constant 0 : i32
        %dma_start3A_623 = tpu.memref_slice %arg6[%dma_start3A_615, %add3A_614, %dma_start3A_622] : memref<2x200x64xf32, #tpu.memory_space<vmem>> -> memref<1x1x64xf32, #tpu.memory_space<vmem>>
        %dma_start3A_624 = tpu.memref_squeeze %dma_start3A_623 : memref<1x1x64xf32, #tpu.memory_space<vmem>> -> memref<64xf32, #tpu.memory_space<vmem>>
        %dma_start3A_625 = arith.constant 0 : i32
        %dma_start3A_626 = tpu.memref_slice %arg3[%squeeze3A_610, %dma_start3A_625] : memref<1000000x64xf32, #tpu.memory_space<hbm>> -> memref<1x64xf32, #tpu.memory_space<hbm>>
        %dma_start3A_627 = tpu.memref_squeeze %dma_start3A_626 : memref<1x64xf32, #tpu.memory_space<hbm>> -> memref<64xf32, #tpu.memory_space<hbm>>
        tpu.enqueue_dma source(%dma_start3A_627 : memref<64xf32, #tpu.memory_space<hbm>>) target(%dma_start3A_624 : memref<64xf32, #tpu.memory_space<vmem>>) target_semaphore(%arg7 : memref<!tpu.dma_semaphore, #tpu.memory_space<semaphore_mem>>)
        %slice3A_628 = vector.extract_strided_slice %get3A_399 {offsets = [12], sizes = [1], strides = [1]} : vector<16xi32> to vector<1xi32>
        %squeeze3A_629 = vector.extract %slice3A_628[0] : i32 from vector<1xi32>
        %mul3A_630 = arith.constant 16 : i32
        %mul3A_631 = arith.muli %scan3A_390, %mul3A_630 : i32
        %add3A_632 = arith.constant 12 : i32
        %add3A_633 = arith.addi %mul3A_631, %add3A_632 : i32
        %dma_start3A_634 = arith.constant 0 : i32
        %dma_start3A_635 = arith.constant 0 : i32
        %dma_start3A_636 = tpu.memref_slice %arg6[%dma_start3A_634, %add3A_633, %dma_start3A_635] : memref<2x200x64xf32, #tpu.memory_space<vmem>> -> memref<1x1x64xf32, #tpu.memory_space<vmem>>
        %dma_start3A_637 = tpu.memref_squeeze %dma_start3A_636 : memref<1x1x64xf32, #tpu.memory_space<vmem>> -> memref<64xf32, #tpu.memory_space<vmem>>
        %dma_start3A_638 = arith.constant 0 : i32
        %dma_start3A_639 = tpu.memref_slice %arg3[%squeeze3A_629, %dma_start3A_638] : memref<1000000x64xf32, #tpu.memory_space<hbm>> -> memref<1x64xf32, #tpu.memory_space<hbm>>
        %dma_start3A_640 = tpu.memref_squeeze %dma_start3A_639 : memref<1x64xf32, #tpu.memory_space<hbm>> -> memref<64xf32, #tpu.memory_space<hbm>>
        %dma_start3A_641 = arith.constant 0 : i32
        %dma_start3A_642 = tpu.memref_slice %arg6[%dma_start3A_634, %add3A_633, %dma_start3A_641] : memref<2x200x64xf32, #tpu.memory_space<vmem>> -> memref<1x1x64xf32, #tpu.memory_space<vmem>>
        %dma_start3A_643 = tpu.memref_squeeze %dma_start3A_642 : memref<1x1x64xf32, #tpu.memory_space<vmem>> -> memref<64xf32, #tpu.memory_space<vmem>>
        %dma_start3A_644 = arith.constant 0 : i32
        %dma_start3A_645 = tpu.memref_slice %arg3[%squeeze3A_629, %dma_start3A_644] : memref<1000000x64xf32, #tpu.memory_space<hbm>> -> memref<1x64xf32, #tpu.memory_space<hbm>>
        %dma_start3A_646 = tpu.memref_squeeze %dma_start3A_645 : memref<1x64xf32, #tpu.memory_space<hbm>> -> memref<64xf32, #tpu.memory_space<hbm>>
        tpu.enqueue_dma source(%dma_start3A_646 : memref<64xf32, #tpu.memory_space<hbm>>) target(%dma_start3A_643 : memref<64xf32, #tpu.memory_space<vmem>>) target_semaphore(%arg7 : memref<!tpu.dma_semaphore, #tpu.memory_space<semaphore_mem>>)
        %slice3A_647 = vector.extract_strided_slice %get3A_399 {offsets = [13], sizes = [1], strides = [1]} : vector<16xi32> to vector<1xi32>
        %squeeze3A_648 = vector.extract %slice3A_647[0] : i32 from vector<1xi32>
        %mul3A_649 = arith.constant 16 : i32
        %mul3A_650 = arith.muli %scan3A_390, %mul3A_649 : i32
        %add3A_651 = arith.constant 13 : i32
        %add3A_652 = arith.addi %mul3A_650, %add3A_651 : i32
        %dma_start3A_653 = arith.constant 0 : i32
        %dma_start3A_654 = arith.constant 0 : i32
        %dma_start3A_655 = tpu.memref_slice %arg6[%dma_start3A_653, %add3A_652, %dma_start3A_654] : memref<2x200x64xf32, #tpu.memory_space<vmem>> -> memref<1x1x64xf32, #tpu.memory_space<vmem>>
        %dma_start3A_656 = tpu.memref_squeeze %dma_start3A_655 : memref<1x1x64xf32, #tpu.memory_space<vmem>> -> memref<64xf32, #tpu.memory_space<vmem>>
        %dma_start3A_657 = arith.constant 0 : i32
        %dma_start3A_658 = tpu.memref_slice %arg3[%squeeze3A_648, %dma_start3A_657] : memref<1000000x64xf32, #tpu.memory_space<hbm>> -> memref<1x64xf32, #tpu.memory_space<hbm>>
        %dma_start3A_659 = tpu.memref_squeeze %dma_start3A_658 : memref<1x64xf32, #tpu.memory_space<hbm>> -> memref<64xf32, #tpu.memory_space<hbm>>
        %dma_start3A_660 = arith.constant 0 : i32
        %dma_start3A_661 = tpu.memref_slice %arg6[%dma_start3A_653, %add3A_652, %dma_start3A_660] : memref<2x200x64xf32, #tpu.memory_space<vmem>> -> memref<1x1x64xf32, #tpu.memory_space<vmem>>
        %dma_start3A_662 = tpu.memref_squeeze %dma_start3A_661 : memref<1x1x64xf32, #tpu.memory_space<vmem>> -> memref<64xf32, #tpu.memory_space<vmem>>
        %dma_start3A_663 = arith.constant 0 : i32
        %dma_start3A_664 = tpu.memref_slice %arg3[%squeeze3A_648, %dma_start3A_663] : memref<1000000x64xf32, #tpu.memory_space<hbm>> -> memref<1x64xf32, #tpu.memory_space<hbm>>
        %dma_start3A_665 = tpu.memref_squeeze %dma_start3A_664 : memref<1x64xf32, #tpu.memory_space<hbm>> -> memref<64xf32, #tpu.memory_space<hbm>>
        tpu.enqueue_dma source(%dma_start3A_665 : memref<64xf32, #tpu.memory_space<hbm>>) target(%dma_start3A_662 : memref<64xf32, #tpu.memory_space<vmem>>) target_semaphore(%arg7 : memref<!tpu.dma_semaphore, #tpu.memory_space<semaphore_mem>>)
        %slice3A_666 = vector.extract_strided_slice %get3A_399 {offsets = [14], sizes = [1], strides = [1]} : vector<16xi32> to vector<1xi32>
        %squeeze3A_667 = vector.extract %slice3A_666[0] : i32 from vector<1xi32>
        %mul3A_668 = arith.constant 16 : i32
        %mul3A_669 = arith.muli %scan3A_390, %mul3A_668 : i32
        %add3A_670 = arith.constant 14 : i32
        %add3A_671 = arith.addi %mul3A_669, %add3A_670 : i32
        %dma_start3A_672 = arith.constant 0 : i32
        %dma_start3A_673 = arith.constant 0 : i32
        %dma_start3A_674 = tpu.memref_slice %arg6[%dma_start3A_672, %add3A_671, %dma_start3A_673] : memref<2x200x64xf32, #tpu.memory_space<vmem>> -> memref<1x1x64xf32, #tpu.memory_space<vmem>>
        %dma_start3A_675 = tpu.memref_squeeze %dma_start3A_674 : memref<1x1x64xf32, #tpu.memory_space<vmem>> -> memref<64xf32, #tpu.memory_space<vmem>>
        %dma_start3A_676 = arith.constant 0 : i32
        %dma_start3A_677 = tpu.memref_slice %arg3[%squeeze3A_667, %dma_start3A_676] : memref<1000000x64xf32, #tpu.memory_space<hbm>> -> memref<1x64xf32, #tpu.memory_space<hbm>>
        %dma_start3A_678 = tpu.memref_squeeze %dma_start3A_677 : memref<1x64xf32, #tpu.memory_space<hbm>> -> memref<64xf32, #tpu.memory_space<hbm>>
        %dma_start3A_679 = arith.constant 0 : i32
        %dma_start3A_680 = tpu.memref_slice %arg6[%dma_start3A_672, %add3A_671, %dma_start3A_679] : memref<2x200x64xf32, #tpu.memory_space<vmem>> -> memref<1x1x64xf32, #tpu.memory_space<vmem>>
        %dma_start3A_681 = tpu.memref_squeeze %dma_start3A_680 : memref<1x1x64xf32, #tpu.memory_space<vmem>> -> memref<64xf32, #tpu.memory_space<vmem>>
        %dma_start3A_682 = arith.constant 0 : i32
        %dma_start3A_683 = tpu.memref_slice %arg3[%squeeze3A_667, %dma_start3A_682] : memref<1000000x64xf32, #tpu.memory_space<hbm>> -> memref<1x64xf32, #tpu.memory_space<hbm>>
        %dma_start3A_684 = tpu.memref_squeeze %dma_start3A_683 : memref<1x64xf32, #tpu.memory_space<hbm>> -> memref<64xf32, #tpu.memory_space<hbm>>
        tpu.enqueue_dma source(%dma_start3A_684 : memref<64xf32, #tpu.memory_space<hbm>>) target(%dma_start3A_681 : memref<64xf32, #tpu.memory_space<vmem>>) target_semaphore(%arg7 : memref<!tpu.dma_semaphore, #tpu.memory_space<semaphore_mem>>)
        %slice3A_685 = vector.extract_strided_slice %get3A_399 {offsets = [15], sizes = [1], strides = [1]} : vector<16xi32> to vector<1xi32>
        %squeeze3A_686 = vector.extract %slice3A_685[0] : i32 from vector<1xi32>
        %mul3A_687 = arith.constant 16 : i32
        %mul3A_688 = arith.muli %scan3A_390, %mul3A_687 : i32
        %add3A_689 = arith.constant 15 : i32
        %add3A_690 = arith.addi %mul3A_688, %add3A_689 : i32
        %dma_start3A_691 = arith.constant 0 : i32
        %dma_start3A_692 = arith.constant 0 : i32
        %dma_start3A_693 = tpu.memref_slice %arg6[%dma_start3A_691, %add3A_690, %dma_start3A_692] : memref<2x200x64xf32, #tpu.memory_space<vmem>> -> memref<1x1x64xf32, #tpu.memory_space<vmem>>
        %dma_start3A_694 = tpu.memref_squeeze %dma_start3A_693 : memref<1x1x64xf32, #tpu.memory_space<vmem>> -> memref<64xf32, #tpu.memory_space<vmem>>
        %dma_start3A_695 = arith.constant 0 : i32
        %dma_start3A_696 = tpu.memref_slice %arg3[%squeeze3A_686, %dma_start3A_695] : memref<1000000x64xf32, #tpu.memory_space<hbm>> -> memref<1x64xf32, #tpu.memory_space<hbm>>
        %dma_start3A_697 = tpu.memref_squeeze %dma_start3A_696 : memref<1x64xf32, #tpu.memory_space<hbm>> -> memref<64xf32, #tpu.memory_space<hbm>>
        %dma_start3A_698 = arith.constant 0 : i32
        %dma_start3A_699 = tpu.memref_slice %arg6[%dma_start3A_691, %add3A_690, %dma_start3A_698] : memref<2x200x64xf32, #tpu.memory_space<vmem>> -> memref<1x1x64xf32, #tpu.memory_space<vmem>>
        %dma_start3A_700 = tpu.memref_squeeze %dma_start3A_699 : memref<1x1x64xf32, #tpu.memory_space<vmem>> -> memref<64xf32, #tpu.memory_space<vmem>>
        %dma_start3A_701 = arith.constant 0 : i32
        %dma_start3A_702 = tpu.memref_slice %arg3[%squeeze3A_686, %dma_start3A_701] : memref<1000000x64xf32, #tpu.memory_space<hbm>> -> memref<1x64xf32, #tpu.memory_space<hbm>>
        %dma_start3A_703 = tpu.memref_squeeze %dma_start3A_702 : memref<1x64xf32, #tpu.memory_space<hbm>> -> memref<64xf32, #tpu.memory_space<hbm>>
        tpu.enqueue_dma source(%dma_start3A_703 : memref<64xf32, #tpu.memory_space<hbm>>) target(%dma_start3A_700 : memref<64xf32, #tpu.memory_space<vmem>>) target_semaphore(%arg7 : memref<!tpu.dma_semaphore, #tpu.memory_space<semaphore_mem>>)
        %scan3A_704 = arith.constant 0 : i32
        scf.yield %scan3A_704 : i32
      }
      %scan3A_95 = arith.constant 12 : i32
      %mul3A_96 = arith.constant 200 : i32
      %mul3A_97 = arith.muli %add3A_86, %mul3A_96 : i32
      %add3A_98 = arith.constant 192 : i32
      %add3A_99 = arith.addi %mul3A_97, %add3A_98 : i32
      %get3A = arith.index_cast %add3A_99 : i32 to index
      %get3A_100 = tpu.vector_load %arg5[%get3A] {strides = array<i32>} : memref<25616xi32, #tpu.memory_space<vmem>>, vector<16xi32>,
      %get3A_101 = vector.shape_cast %get3A_100 : vector<16xi32> to vector<16xi32>
      %slice3A = vector.extract_strided_slice %get3A_101 {offsets = [0], sizes = [1], strides = [1]} : vector<16xi32> to vector<1xi32>
      %squeeze3A = vector.extract %slice3A[0] : i32 from vector<1xi32>
      %dma_start3A_102 = arith.constant 0 : i32
      %dma_start3A_103 = arith.constant 192 : i32
      %dma_start3A_104 = arith.constant 0 : i32
      %dma_start3A_105 = tpu.memref_slice %arg6[%dma_start3A_102, %dma_start3A_103, %dma_start3A_104] : memref<2x200x64xf32, #tpu.memory_space<vmem>> -> memref<1x1x64xf32, #tpu.memory_space<vmem>>
      %dma_start3A_106 = tpu.memref_squeeze %dma_start3A_105 : memref<1x1x64xf32, #tpu.memory_space<vmem>> -> memref<64xf32, #tpu.memory_space<vmem>>
      %dma_start3A_107 = arith.constant 0 : i32
      %dma_start3A_108 = tpu.memref_slice %arg3[%squeeze3A, %dma_start3A_107] : memref<1000000x64xf32, #tpu.memory_space<hbm>> -> memref<1x64xf32, #tpu.memory_space<hbm>>
      %dma_start3A_109 = tpu.memref_squeeze %dma_start3A_108 : memref<1x64xf32, #tpu.memory_space<hbm>> -> memref<64xf32, #tpu.memory_space<hbm>>
      %dma_start3A_110 = arith.constant 0 : i32
      %dma_start3A_111 = tpu.memref_slice %arg6[%dma_start3A_102, %dma_start3A_103, %dma_start3A_110] : memref<2x200x64xf32, #tpu.memory_space<vmem>> -> memref<1x1x64xf32, #tpu.memory_space<vmem>>
      %dma_start3A_112 = tpu.memref_squeeze %dma_start3A_111 : memref<1x1x64xf32, #tpu.memory_space<vmem>> -> memref<64xf32, #tpu.memory_space<vmem>>
      %dma_start3A_113 = arith.constant 0 : i32
      %dma_start3A_114 = tpu.memref_slice %arg3[%squeeze3A, %dma_start3A_113] : memref<1000000x64xf32, #tpu.memory_space<hbm>> -> memref<1x64xf32, #tpu.memory_space<hbm>>
      %dma_start3A_115 = tpu.memref_squeeze %dma_start3A_114 : memref<1x64xf32, #tpu.memory_space<hbm>> -> memref<64xf32, #tpu.memory_space<hbm>>
      tpu.enqueue_dma source(%dma_start3A_115 : memref<64xf32, #tpu.memory_space<hbm>>) target(%dma_start3A_112 : memref<64xf32, #tpu.memory_space<vmem>>) target_semaphore(%arg7 : memref<!tpu.dma_semaphore, #tpu.memory_space<semaphore_mem>>)
      %slice3A_116 = vector.extract_strided_slice %get3A_101 {offsets = [1], sizes = [1], strides = [1]} : vector<16xi32> to vector<1xi32>
      %squeeze3A_117 = vector.extract %slice3A_116[0] : i32 from vector<1xi32>
      %dma_start3A_118 = arith.constant 0 : i32
      %dma_start3A_119 = arith.constant 193 : i32
      %dma_start3A_120 = arith.constant 0 : i32
      %dma_start3A_121 = tpu.memref_slice %arg6[%dma_start3A_118, %dma_start3A_119, %dma_start3A_120] : memref<2x200x64xf32, #tpu.memory_space<vmem>> -> memref<1x1x64xf32, #tpu.memory_space<vmem>>
      %dma_start3A_122 = tpu.memref_squeeze %dma_start3A_121 : memref<1x1x64xf32, #tpu.memory_space<vmem>> -> memref<64xf32, #tpu.memory_space<vmem>>
      %dma_start3A_123 = arith.constant 0 : i32
      %dma_start3A_124 = tpu.memref_slice %arg3[%squeeze3A_117, %dma_start3A_123] : memref<1000000x64xf32, #tpu.memory_space<hbm>> -> memref<1x64xf32, #tpu.memory_space<hbm>>
      %dma_start3A_125 = tpu.memref_squeeze %dma_start3A_124 : memref<1x64xf32, #tpu.memory_space<hbm>> -> memref<64xf32, #tpu.memory_space<hbm>>
      %dma_start3A_126 = arith.constant 0 : i32
      %dma_start3A_127 = tpu.memref_slice %arg6[%dma_start3A_118, %dma_start3A_119, %dma_start3A_126] : memref<2x200x64xf32, #tpu.memory_space<vmem>> -> memref<1x1x64xf32, #tpu.memory_space<vmem>>
      %dma_start3A_128 = tpu.memref_squeeze %dma_start3A_127 : memref<1x1x64xf32, #tpu.memory_space<vmem>> -> memref<64xf32, #tpu.memory_space<vmem>>
      %dma_start3A_129 = arith.constant 0 : i32
      %dma_start3A_130 = tpu.memref_slice %arg3[%squeeze3A_117, %dma_start3A_129] : memref<1000000x64xf32, #tpu.memory_space<hbm>> -> memref<1x64xf32, #tpu.memory_space<hbm>>
      %dma_start3A_131 = tpu.memref_squeeze %dma_start3A_130 : memref<1x64xf32, #tpu.memory_space<hbm>> -> memref<64xf32, #tpu.memory_space<hbm>>
      tpu.enqueue_dma source(%dma_start3A_131 : memref<64xf32, #tpu.memory_space<hbm>>) target(%dma_start3A_128 : memref<64xf32, #tpu.memory_space<vmem>>) target_semaphore(%arg7 : memref<!tpu.dma_semaphore, #tpu.memory_space<semaphore_mem>>)
      %slice3A_132 = vector.extract_strided_slice %get3A_101 {offsets = [2], sizes = [1], strides = [1]} : vector<16xi32> to vector<1xi32>
      %squeeze3A_133 = vector.extract %slice3A_132[0] : i32 from vector<1xi32>
      %dma_start3A_134 = arith.constant 0 : i32
      %dma_start3A_135 = arith.constant 194 : i32
      %dma_start3A_136 = arith.constant 0 : i32
      %dma_start3A_137 = tpu.memref_slice %arg6[%dma_start3A_134, %dma_start3A_135, %dma_start3A_136] : memref<2x200x64xf32, #tpu.memory_space<vmem>> -> memref<1x1x64xf32, #tpu.memory_space<vmem>>
      %dma_start3A_138 = tpu.memref_squeeze %dma_start3A_137 : memref<1x1x64xf32, #tpu.memory_space<vmem>> -> memref<64xf32, #tpu.memory_space<vmem>>
      %dma_start3A_139 = arith.constant 0 : i32
      %dma_start3A_140 = tpu.memref_slice %arg3[%squeeze3A_133, %dma_start3A_139] : memref<1000000x64xf32, #tpu.memory_space<hbm>> -> memref<1x64xf32, #tpu.memory_space<hbm>>
      %dma_start3A_141 = tpu.memref_squeeze %dma_start3A_140 : memref<1x64xf32, #tpu.memory_space<hbm>> -> memref<64xf32, #tpu.memory_space<hbm>>
      %dma_start3A_142 = arith.constant 0 : i32
      %dma_start3A_143 = tpu.memref_slice %arg6[%dma_start3A_134, %dma_start3A_135, %dma_start3A_142] : memref<2x200x64xf32, #tpu.memory_space<vmem>> -> memref<1x1x64xf32, #tpu.memory_space<vmem>>
      %dma_start3A_144 = tpu.memref_squeeze %dma_start3A_143 : memref<1x1x64xf32, #tpu.memory_space<vmem>> -> memref<64xf32, #tpu.memory_space<vmem>>
      %dma_start3A_145 = arith.constant 0 : i32
      %dma_start3A_146 = tpu.memref_slice %arg3[%squeeze3A_133, %dma_start3A_145] : memref<1000000x64xf32, #tpu.memory_space<hbm>> -> memref<1x64xf32, #tpu.memory_space<hbm>>
      %dma_start3A_147 = tpu.memref_squeeze %dma_start3A_146 : memref<1x64xf32, #tpu.memory_space<hbm>> -> memref<64xf32, #tpu.memory_space<hbm>>
      tpu.enqueue_dma source(%dma_start3A_147 : memref<64xf32, #tpu.memory_space<hbm>>) target(%dma_start3A_144 : memref<64xf32, #tpu.memory_space<vmem>>) target_semaphore(%arg7 : memref<!tpu.dma_semaphore, #tpu.memory_space<semaphore_mem>>)
      %slice3A_148 = vector.extract_strided_slice %get3A_101 {offsets = [3], sizes = [1], strides = [1]} : vector<16xi32> to vector<1xi32>
      %squeeze3A_149 = vector.extract %slice3A_148[0] : i32 from vector<1xi32>
      %dma_start3A_150 = arith.constant 0 : i32
      %dma_start3A_151 = arith.constant 195 : i32
      %dma_start3A_152 = arith.constant 0 : i32
      %dma_start3A_153 = tpu.memref_slice %arg6[%dma_start3A_150, %dma_start3A_151, %dma_start3A_152] : memref<2x200x64xf32, #tpu.memory_space<vmem>> -> memref<1x1x64xf32, #tpu.memory_space<vmem>>
      %dma_start3A_154 = tpu.memref_squeeze %dma_start3A_153 : memref<1x1x64xf32, #tpu.memory_space<vmem>> -> memref<64xf32, #tpu.memory_space<vmem>>
      %dma_start3A_155 = arith.constant 0 : i32
      %dma_start3A_156 = tpu.memref_slice %arg3[%squeeze3A_149, %dma_start3A_155] : memref<1000000x64xf32, #tpu.memory_space<hbm>> -> memref<1x64xf32, #tpu.memory_space<hbm>>
      %dma_start3A_157 = tpu.memref_squeeze %dma_start3A_156 : memref<1x64xf32, #tpu.memory_space<hbm>> -> memref<64xf32, #tpu.memory_space<hbm>>
      %dma_start3A_158 = arith.constant 0 : i32
      %dma_start3A_159 = tpu.memref_slice %arg6[%dma_start3A_150, %dma_start3A_151, %dma_start3A_158] : memref<2x200x64xf32, #tpu.memory_space<vmem>> -> memref<1x1x64xf32, #tpu.memory_space<vmem>>
      %dma_start3A_160 = tpu.memref_squeeze %dma_start3A_159 : memref<1x1x64xf32, #tpu.memory_space<vmem>> -> memref<64xf32, #tpu.memory_space<vmem>>
      %dma_start3A_161 = arith.constant 0 : i32
      %dma_start3A_162 = tpu.memref_slice %arg3[%squeeze3A_149, %dma_start3A_161] : memref<1000000x64xf32, #tpu.memory_space<hbm>> -> memref<1x64xf32, #tpu.memory_space<hbm>>
      %dma_start3A_163 = tpu.memref_squeeze %dma_start3A_162 : memref<1x64xf32, #tpu.memory_space<hbm>> -> memref<64xf32, #tpu.memory_space<hbm>>
      tpu.enqueue_dma source(%dma_start3A_163 : memref<64xf32, #tpu.memory_space<hbm>>) target(%dma_start3A_160 : memref<64xf32, #tpu.memory_space<vmem>>) target_semaphore(%arg7 : memref<!tpu.dma_semaphore, #tpu.memory_space<semaphore_mem>>)
      %slice3A_164 = vector.extract_strided_slice %get3A_101 {offsets = [4], sizes = [1], strides = [1]} : vector<16xi32> to vector<1xi32>
      %squeeze3A_165 = vector.extract %slice3A_164[0] : i32 from vector<1xi32>
      %dma_start3A_166 = arith.constant 0 : i32
      %dma_start3A_167 = arith.constant 196 : i32
      %dma_start3A_168 = arith.constant 0 : i32
      %dma_start3A_169 = tpu.memref_slice %arg6[%dma_start3A_166, %dma_start3A_167, %dma_start3A_168] : memref<2x200x64xf32, #tpu.memory_space<vmem>> -> memref<1x1x64xf32, #tpu.memory_space<vmem>>
      %dma_start3A_170 = tpu.memref_squeeze %dma_start3A_169 : memref<1x1x64xf32, #tpu.memory_space<vmem>> -> memref<64xf32, #tpu.memory_space<vmem>>
      %dma_start3A_171 = arith.constant 0 : i32
      %dma_start3A_172 = tpu.memref_slice %arg3[%squeeze3A_165, %dma_start3A_171] : memref<1000000x64xf32, #tpu.memory_space<hbm>> -> memref<1x64xf32, #tpu.memory_space<hbm>>
      %dma_start3A_173 = tpu.memref_squeeze %dma_start3A_172 : memref<1x64xf32, #tpu.memory_space<hbm>> -> memref<64xf32, #tpu.memory_space<hbm>>
      %dma_start3A_174 = arith.constant 0 : i32
      %dma_start3A_175 = tpu.memref_slice %arg6[%dma_start3A_166, %dma_start3A_167, %dma_start3A_174] : memref<2x200x64xf32, #tpu.memory_space<vmem>> -> memref<1x1x64xf32, #tpu.memory_space<vmem>>
      %dma_start3A_176 = tpu.memref_squeeze %dma_start3A_175 : memref<1x1x64xf32, #tpu.memory_space<vmem>> -> memref<64xf32, #tpu.memory_space<vmem>>
      %dma_start3A_177 = arith.constant 0 : i32
      %dma_start3A_178 = tpu.memref_slice %arg3[%squeeze3A_165, %dma_start3A_177] : memref<1000000x64xf32, #tpu.memory_space<hbm>> -> memref<1x64xf32, #tpu.memory_space<hbm>>
      %dma_start3A_179 = tpu.memref_squeeze %dma_start3A_178 : memref<1x64xf32, #tpu.memory_space<hbm>> -> memref<64xf32, #tpu.memory_space<hbm>>
      tpu.enqueue_dma source(%dma_start3A_179 : memref<64xf32, #tpu.memory_space<hbm>>) target(%dma_start3A_176 : memref<64xf32, #tpu.memory_space<vmem>>) target_semaphore(%arg7 : memref<!tpu.dma_semaphore, #tpu.memory_space<semaphore_mem>>)
      %slice3A_180 = vector.extract_strided_slice %get3A_101 {offsets = [5], sizes = [1], strides = [1]} : vector<16xi32> to vector<1xi32>
      %squeeze3A_181 = vector.extract %slice3A_180[0] : i32 from vector<1xi32>
      %dma_start3A_182 = arith.constant 0 : i32
      %dma_start3A_183 = arith.constant 197 : i32
      %dma_start3A_184 = arith.constant 0 : i32
      %dma_start3A_185 = tpu.memref_slice %arg6[%dma_start3A_182, %dma_start3A_183, %dma_start3A_184] : memref<2x200x64xf32, #tpu.memory_space<vmem>> -> memref<1x1x64xf32, #tpu.memory_space<vmem>>
      %dma_start3A_186 = tpu.memref_squeeze %dma_start3A_185 : memref<1x1x64xf32, #tpu.memory_space<vmem>> -> memref<64xf32, #tpu.memory_space<vmem>>
      %dma_start3A_187 = arith.constant 0 : i32
      %dma_start3A_188 = tpu.memref_slice %arg3[%squeeze3A_181, %dma_start3A_187] : memref<1000000x64xf32, #tpu.memory_space<hbm>> -> memref<1x64xf32, #tpu.memory_space<hbm>>
      %dma_start3A_189 = tpu.memref_squeeze %dma_start3A_188 : memref<1x64xf32, #tpu.memory_space<hbm>> -> memref<64xf32, #tpu.memory_space<hbm>>
      %dma_start3A_190 = arith.constant 0 : i32
      %dma_start3A_191 = tpu.memref_slice %arg6[%dma_start3A_182, %dma_start3A_183, %dma_start3A_190] : memref<2x200x64xf32, #tpu.memory_space<vmem>> -> memref<1x1x64xf32, #tpu.memory_space<vmem>>
      %dma_start3A_192 = tpu.memref_squeeze %dma_start3A_191 : memref<1x1x64xf32, #tpu.memory_space<vmem>> -> memref<64xf32, #tpu.memory_space<vmem>>
      %dma_start3A_193 = arith.constant 0 : i32
      %dma_start3A_194 = tpu.memref_slice %arg3[%squeeze3A_181, %dma_start3A_193] : memref<1000000x64xf32, #tpu.memory_space<hbm>> -> memref<1x64xf32, #tpu.memory_space<hbm>>
      %dma_start3A_195 = tpu.memref_squeeze %dma_start3A_194 : memref<1x64xf32, #tpu.memory_space<hbm>> -> memref<64xf32, #tpu.memory_space<hbm>>
      tpu.enqueue_dma source(%dma_start3A_195 : memref<64xf32, #tpu.memory_space<hbm>>) target(%dma_start3A_192 : memref<64xf32, #tpu.memory_space<vmem>>) target_semaphore(%arg7 : memref<!tpu.dma_semaphore, #tpu.memory_space<semaphore_mem>>)
      %slice3A_196 = vector.extract_strided_slice %get3A_101 {offsets = [6], sizes = [1], strides = [1]} : vector<16xi32> to vector<1xi32>
      %squeeze3A_197 = vector.extract %slice3A_196[0] : i32 from vector<1xi32>
      %dma_start3A_198 = arith.constant 0 : i32
      %dma_start3A_199 = arith.constant 198 : i32
      %dma_start3A_200 = arith.constant 0 : i32
      %dma_start3A_201 = tpu.memref_slice %arg6[%dma_start3A_198, %dma_start3A_199, %dma_start3A_200] : memref<2x200x64xf32, #tpu.memory_space<vmem>> -> memref<1x1x64xf32, #tpu.memory_space<vmem>>
      %dma_start3A_202 = tpu.memref_squeeze %dma_start3A_201 : memref<1x1x64xf32, #tpu.memory_space<vmem>> -> memref<64xf32, #tpu.memory_space<vmem>>
      %dma_start3A_203 = arith.constant 0 : i32
      %dma_start3A_204 = tpu.memref_slice %arg3[%squeeze3A_197, %dma_start3A_203] : memref<1000000x64xf32, #tpu.memory_space<hbm>> -> memref<1x64xf32, #tpu.memory_space<hbm>>
      %dma_start3A_205 = tpu.memref_squeeze %dma_start3A_204 : memref<1x64xf32, #tpu.memory_space<hbm>> -> memref<64xf32, #tpu.memory_space<hbm>>
      %dma_start3A_206 = arith.constant 0 : i32
      %dma_start3A_207 = tpu.memref_slice %arg6[%dma_start3A_198, %dma_start3A_199, %dma_start3A_206] : memref<2x200x64xf32, #tpu.memory_space<vmem>> -> memref<1x1x64xf32, #tpu.memory_space<vmem>>
      %dma_start3A_208 = tpu.memref_squeeze %dma_start3A_207 : memref<1x1x64xf32, #tpu.memory_space<vmem>> -> memref<64xf32, #tpu.memory_space<vmem>>
      %dma_start3A_209 = arith.constant 0 : i32
      %dma_start3A_210 = tpu.memref_slice %arg3[%squeeze3A_197, %dma_start3A_209] : memref<1000000x64xf32, #tpu.memory_space<hbm>> -> memref<1x64xf32, #tpu.memory_space<hbm>>
      %dma_start3A_211 = tpu.memref_squeeze %dma_start3A_210 : memref<1x64xf32, #tpu.memory_space<hbm>> -> memref<64xf32, #tpu.memory_space<hbm>>
      tpu.enqueue_dma source(%dma_start3A_211 : memref<64xf32, #tpu.memory_space<hbm>>) target(%dma_start3A_208 : memref<64xf32, #tpu.memory_space<vmem>>) target_semaphore(%arg7 : memref<!tpu.dma_semaphore, #tpu.memory_space<semaphore_mem>>)
      %slice3A_212 = vector.extract_strided_slice %get3A_101 {offsets = [7], sizes = [1], strides = [1]} : vector<16xi32> to vector<1xi32>
      %squeeze3A_213 = vector.extract %slice3A_212[0] : i32 from vector<1xi32>
      %dma_start3A_214 = arith.constant 0 : i32
      %dma_start3A_215 = arith.constant 199 : i32
      %dma_start3A_216 = arith.constant 0 : i32
      %dma_start3A_217 = tpu.memref_slice %arg6[%dma_start3A_214, %dma_start3A_215, %dma_start3A_216] : memref<2x200x64xf32, #tpu.memory_space<vmem>> -> memref<1x1x64xf32, #tpu.memory_space<vmem>>
      %dma_start3A_218 = tpu.memref_squeeze %dma_start3A_217 : memref<1x1x64xf32, #tpu.memory_space<vmem>> -> memref<64xf32, #tpu.memory_space<vmem>>
      %dma_start3A_219 = arith.constant 0 : i32
      %dma_start3A_220 = tpu.memref_slice %arg3[%squeeze3A_213, %dma_start3A_219] : memref<1000000x64xf32, #tpu.memory_space<hbm>> -> memref<1x64xf32, #tpu.memory_space<hbm>>
      %dma_start3A_221 = tpu.memref_squeeze %dma_start3A_220 : memref<1x64xf32, #tpu.memory_space<hbm>> -> memref<64xf32, #tpu.memory_space<hbm>>
      %dma_start3A_222 = arith.constant 0 : i32
      %dma_start3A_223 = tpu.memref_slice %arg6[%dma_start3A_214, %dma_start3A_215, %dma_start3A_222] : memref<2x200x64xf32, #tpu.memory_space<vmem>> -> memref<1x1x64xf32, #tpu.memory_space<vmem>>
      %dma_start3A_224 = tpu.memref_squeeze %dma_start3A_223 : memref<1x1x64xf32, #tpu.memory_space<vmem>> -> memref<64xf32, #tpu.memory_space<vmem>>
      %dma_start3A_225 = arith.constant 0 : i32
      %dma_start3A_226 = tpu.memref_slice %arg3[%squeeze3A_213, %dma_start3A_225] : memref<1000000x64xf32, #tpu.memory_space<hbm>> -> memref<1x64xf32, #tpu.memory_space<hbm>>
      %dma_start3A_227 = tpu.memref_squeeze %dma_start3A_226 : memref<1x64xf32, #tpu.memory_space<hbm>> -> memref<64xf32, #tpu.memory_space<hbm>>
      tpu.enqueue_dma source(%dma_start3A_227 : memref<64xf32, #tpu.memory_space<hbm>>) target(%dma_start3A_224 : memref<64xf32, #tpu.memory_space<vmem>>) target_semaphore(%arg7 : memref<!tpu.dma_semaphore, #tpu.memory_space<semaphore_mem>>)
      %ge3A_228 = arith.constant 1 : i32
      %ge3A_229 = arith.cmpi sge, %add3A_86, %ge3A_228 : i32
      %convert_element_type3A_230 = arith.extui %ge3A_229 : i1 to i32
      %cond3A_231 = arith.constant 0 : i32
      %cond3A_232 = arith.cmpi ne, %convert_element_type3A_230, %cond3A_231 : i32
      scf.if %cond3A_232 {
        %dma_wait3A_390 = arith.constant 1 : i32
        %dma_wait3A_391 = arith.constant 0 : i32
        %dma_wait3A_392 = arith.constant 0 : i32
        %dma_wait3A_393 = tpu.memref_slice %arg6[%dma_wait3A_390, %dma_wait3A_391, %dma_wait3A_392] : memref<2x200x64xf32, #tpu.memory_space<vmem>> -> memref<1x200x64xf32, #tpu.memory_space<vmem>>
        %dma_wait3A_394 = tpu.memref_squeeze %dma_wait3A_393 : memref<1x200x64xf32, #tpu.memory_space<vmem>> -> memref<200x64xf32, #tpu.memory_space<vmem>>
        %dma_wait3A_395 = arith.constant 0 : i32
        %dma_wait3A_396 = arith.constant 0 : i32
        %dma_wait3A_397 = tpu.memref_slice %arg3[%dma_wait3A_395, %dma_wait3A_396] : memref<1000000x64xf32, #tpu.memory_space<hbm>> -> memref<200x64xf32, #tpu.memory_space<hbm>>
        %dma_wait3A_398 = arith.constant 0 : i32
        %dma_wait3A_399 = arith.constant 0 : i32
        %dma_wait3A_400 = tpu.memref_slice %arg6[%dma_wait3A_390, %dma_wait3A_398, %dma_wait3A_399] : memref<2x200x64xf32, #tpu.memory_space<vmem>> -> memref<1x200x64xf32, #tpu.memory_space<vmem>>
        %dma_wait3A_401 = tpu.memref_squeeze %dma_wait3A_400 : memref<1x200x64xf32, #tpu.memory_space<vmem>> -> memref<200x64xf32, #tpu.memory_space<vmem>>
        %dma_wait3A_402 = arith.constant 0 : i32
        %dma_wait3A_403 = arith.constant 0 : i32
        %dma_wait3A_404 = tpu.memref_slice %arg3[%dma_wait3A_402, %dma_wait3A_403] : memref<1000000x64xf32, #tpu.memory_space<hbm>> -> memref<200x64xf32, #tpu.memory_space<hbm>>
        tpu.wait_dma2 semaphore(%arg8 : memref<!tpu.dma_semaphore, #tpu.memory_space<semaphore_mem>>) src(%dma_wait3A_404 : memref<200x64xf32, #tpu.memory_space<hbm>>) dst(%dma_wait3A_401 : memref<200x64xf32, #tpu.memory_space<vmem>>)
        %sub3A = arith.constant 1 : i32
        %sub3A_405 = arith.subi %add3A_86, %sub3A : i32
        %add3A_406 = arith.addi %mul3A_2, %sub3A_405 : i32
        %dma_start3A_407 = arith.constant 1 : i32
        %dma_start3A_408 = arith.constant 0 : i32
        %dma_start3A_409 = arith.constant 0 : i32
        %dma_start3A_410 = tpu.memref_slice %arg6[%dma_start3A_407, %dma_start3A_408, %dma_start3A_409] : memref<2x200x64xf32, #tpu.memory_space<vmem>> -> memref<1x200x64xf32, #tpu.memory_space<vmem>>
        %dma_start3A_411 = tpu.memref_squeeze %dma_start3A_410 : memref<1x200x64xf32, #tpu.memory_space<vmem>> -> memref<200x64xf32, #tpu.memory_space<vmem>>
        %dma_start3A_412 = arith.constant 0 : i32
        %dma_start3A_413 = arith.constant 0 : i32
        %dma_start3A_414 = tpu.memref_slice %arg4[%add3A_406, %dma_start3A_412, %dma_start3A_413] : memref<4096x200x64xf32, #tpu.memory_space<hbm>> -> memref<1x200x64xf32, #tpu.memory_space<hbm>>
        %dma_start3A_415 = tpu.memref_squeeze %dma_start3A_414 : memref<1x200x64xf32, #tpu.memory_space<hbm>> -> memref<200x64xf32, #tpu.memory_space<hbm>>
        %dma_start3A_416 = arith.constant 0 : i32
        %dma_start3A_417 = arith.constant 0 : i32
        %dma_start3A_418 = tpu.memref_slice %arg4[%add3A_406, %dma_start3A_416, %dma_start3A_417] : memref<4096x200x64xf32, #tpu.memory_space<hbm>> -> memref<1x200x64xf32, #tpu.memory_space<hbm>>
        %dma_start3A_419 = tpu.memref_squeeze %dma_start3A_418 : memref<1x200x64xf32, #tpu.memory_space<hbm>> -> memref<200x64xf32, #tpu.memory_space<hbm>>
        %dma_start3A_420 = arith.constant 0 : i32
        %dma_start3A_421 = arith.constant 0 : i32
        %dma_start3A_422 = tpu.memref_slice %arg6[%dma_start3A_407, %dma_start3A_420, %dma_start3A_421] : memref<2x200x64xf32, #tpu.memory_space<vmem>> -> memref<1x200x64xf32, #tpu.memory_space<vmem>>
        %dma_start3A_423 = tpu.memref_squeeze %dma_start3A_422 : memref<1x200x64xf32, #tpu.memory_space<vmem>> -> memref<200x64xf32, #tpu.memory_space<vmem>>
        tpu.enqueue_dma source(%dma_start3A_423 : memref<200x64xf32, #tpu.memory_space<vmem>>) target(%dma_start3A_419 : memref<200x64xf32, #tpu.memory_space<hbm>>) target_semaphore(%arg10 : memref<!tpu.dma_semaphore, #tpu.memory_space<semaphore_mem>>)
      } else {
      }
      %mul3A_233 = arith.constant 2 : i32
      %mul3A_234 = arith.muli %scan3A_81, %mul3A_233 : i32
      %add3A_235 = arith.constant 1 : i32
      %add3A_236 = arith.addi %mul3A_234, %add3A_235 : i32
      %ge3A_237 = arith.constant 2 : i32
      %ge3A_238 = arith.cmpi sge, %add3A_236, %ge3A_237 : i32
      %convert_element_type3A_239 = arith.extui %ge3A_238 : i1 to i32
      %cond3A_240 = arith.constant 0 : i32
      %cond3A_241 = arith.cmpi ne, %convert_element_type3A_239, %cond3A_240 : i32
      scf.if %cond3A_241 {
        %sub3A = arith.constant 2 : i32
        %sub3A_390 = arith.subi %add3A_236, %sub3A : i32
        %add3A_391 = arith.addi %mul3A_2, %sub3A_390 : i32
        %dma_wait3A_392 = arith.constant 1 : i32
        %dma_wait3A_393 = arith.constant 0 : i32
        %dma_wait3A_394 = arith.constant 0 : i32
        %dma_wait3A_395 = tpu.memref_slice %arg6[%dma_wait3A_392, %dma_wait3A_393, %dma_wait3A_394] : memref<2x200x64xf32, #tpu.memory_space<vmem>> -> memref<1x200x64xf32, #tpu.memory_space<vmem>>
        %dma_wait3A_396 = tpu.memref_squeeze %dma_wait3A_395 : memref<1x200x64xf32, #tpu.memory_space<vmem>> -> memref<200x64xf32, #tpu.memory_space<vmem>>
        %dma_wait3A_397 = arith.constant 0 : i32
        %dma_wait3A_398 = arith.constant 0 : i32
        %dma_wait3A_399 = tpu.memref_slice %arg4[%add3A_391, %dma_wait3A_397, %dma_wait3A_398] : memref<4096x200x64xf32, #tpu.memory_space<hbm>> -> memref<1x200x64xf32, #tpu.memory_space<hbm>>
        %dma_wait3A_400 = tpu.memref_squeeze %dma_wait3A_399 : memref<1x200x64xf32, #tpu.memory_space<hbm>> -> memref<200x64xf32, #tpu.memory_space<hbm>>
        %dma_wait3A_401 = arith.constant 0 : i32
        %dma_wait3A_402 = arith.constant 0 : i32
        %dma_wait3A_403 = tpu.memref_slice %arg4[%add3A_391, %dma_wait3A_401, %dma_wait3A_402] : memref<4096x200x64xf32, #tpu.memory_space<hbm>> -> memref<1x200x64xf32, #tpu.memory_space<hbm>>
        %dma_wait3A_404 = tpu.memref_squeeze %dma_wait3A_403 : memref<1x200x64xf32, #tpu.memory_space<hbm>> -> memref<200x64xf32, #tpu.memory_space<hbm>>
        %dma_wait3A_405 = arith.constant 0 : i32
        %dma_wait3A_406 = arith.constant 0 : i32
        %dma_wait3A_407 = tpu.memref_slice %arg6[%dma_wait3A_392, %dma_wait3A_405, %dma_wait3A_406] : memref<2x200x64xf32, #tpu.memory_space<vmem>> -> memref<1x200x64xf32, #tpu.memory_space<vmem>>
        %dma_wait3A_408 = tpu.memref_squeeze %dma_wait3A_407 : memref<1x200x64xf32, #tpu.memory_space<vmem>> -> memref<200x64xf32, #tpu.memory_space<vmem>>
        tpu.wait_dma2 semaphore(%arg10 : memref<!tpu.dma_semaphore, #tpu.memory_space<semaphore_mem>>) src(%dma_wait3A_408 : memref<200x64xf32, #tpu.memory_space<vmem>>) dst(%dma_wait3A_404 : memref<200x64xf32, #tpu.memory_space<hbm>>)
      } else {
      }
      %scan3A_242 = arith.constant 0 : i32
      %scan3A_243 = arith.constant 0 : i32
      %scan3A_244 = arith.constant 12 : i32
      %scan3A_245 = arith.addi %scan3A_243, %scan3A_244 : i32
      %scan3A_246 = arith.constant 1 : i32
      %scan3A_247 = scf.for %scan3A_390 = %scan3A_243 to %scan3A_245 step %scan3A_246 iter_args(%scan3A_391 = %scan3A_242) -> (i32)  : i32 {
        %mul3A_392 = arith.constant 200 : i32
        %mul3A_393 = arith.muli %add3A_236, %mul3A_392 : i32
        %mul3A_394 = arith.constant 16 : i32
        %mul3A_395 = arith.muli %scan3A_390, %mul3A_394 : i32
        %add3A_396 = arith.addi %mul3A_393, %mul3A_395 : i32
        %get3A_397 = arith.index_cast %add3A_396 : i32 to index
        %get3A_398 = tpu.vector_load %arg5[%get3A_397] {strides = array<i32>} : memref<25616xi32, #tpu.memory_space<vmem>>, vector<16xi32>,
        %get3A_399 = vector.shape_cast %get3A_398 : vector<16xi32> to vector<16xi32>
        %slice3A_400 = vector.extract_strided_slice %get3A_399 {offsets = [0], sizes = [1], strides = [1]} : vector<16xi32> to vector<1xi32>
        %squeeze3A_401 = vector.extract %slice3A_400[0] : i32 from vector<1xi32>
        %mul3A_402 = arith.constant 16 : i32
        %mul3A_403 = arith.muli %scan3A_390, %mul3A_402 : i32
        %add3A_404 = arith.constant 0 : i32
        %add3A_405 = arith.addi %mul3A_403, %add3A_404 : i32
        %dma_start3A_406 = arith.constant 1 : i32
        %dma_start3A_407 = arith.constant 0 : i32
        %dma_start3A_408 = tpu.memref_slice %arg6[%dma_start3A_406, %add3A_405, %dma_start3A_407] : memref<2x200x64xf32, #tpu.memory_space<vmem>> -> memref<1x1x64xf32, #tpu.memory_space<vmem>>
        %dma_start3A_409 = tpu.memref_squeeze %dma_start3A_408 : memref<1x1x64xf32, #tpu.memory_space<vmem>> -> memref<64xf32, #tpu.memory_space<vmem>>
        %dma_start3A_410 = arith.constant 0 : i32
        %dma_start3A_411 = tpu.memref_slice %arg3[%squeeze3A_401, %dma_start3A_410] : memref<1000000x64xf32, #tpu.memory_space<hbm>> -> memref<1x64xf32, #tpu.memory_space<hbm>>
        %dma_start3A_412 = tpu.memref_squeeze %dma_start3A_411 : memref<1x64xf32, #tpu.memory_space<hbm>> -> memref<64xf32, #tpu.memory_space<hbm>>
        %dma_start3A_413 = arith.constant 0 : i32
        %dma_start3A_414 = tpu.memref_slice %arg6[%dma_start3A_406, %add3A_405, %dma_start3A_413] : memref<2x200x64xf32, #tpu.memory_space<vmem>> -> memref<1x1x64xf32, #tpu.memory_space<vmem>>
        %dma_start3A_415 = tpu.memref_squeeze %dma_start3A_414 : memref<1x1x64xf32, #tpu.memory_space<vmem>> -> memref<64xf32, #tpu.memory_space<vmem>>
        %dma_start3A_416 = arith.constant 0 : i32
        %dma_start3A_417 = tpu.memref_slice %arg3[%squeeze3A_401, %dma_start3A_416] : memref<1000000x64xf32, #tpu.memory_space<hbm>> -> memref<1x64xf32, #tpu.memory_space<hbm>>
        %dma_start3A_418 = tpu.memref_squeeze %dma_start3A_417 : memref<1x64xf32, #tpu.memory_space<hbm>> -> memref<64xf32, #tpu.memory_space<hbm>>
        tpu.enqueue_dma source(%dma_start3A_418 : memref<64xf32, #tpu.memory_space<hbm>>) target(%dma_start3A_415 : memref<64xf32, #tpu.memory_space<vmem>>) target_semaphore(%arg8 : memref<!tpu.dma_semaphore, #tpu.memory_space<semaphore_mem>>)
        %slice3A_419 = vector.extract_strided_slice %get3A_399 {offsets = [1], sizes = [1], strides = [1]} : vector<16xi32> to vector<1xi32>
        %squeeze3A_420 = vector.extract %slice3A_419[0] : i32 from vector<1xi32>
        %mul3A_421 = arith.constant 16 : i32
        %mul3A_422 = arith.muli %scan3A_390, %mul3A_421 : i32
        %add3A_423 = arith.constant 1 : i32
        %add3A_424 = arith.addi %mul3A_422, %add3A_423 : i32
        %dma_start3A_425 = arith.constant 1 : i32
        %dma_start3A_426 = arith.constant 0 : i32
        %dma_start3A_427 = tpu.memref_slice %arg6[%dma_start3A_425, %add3A_424, %dma_start3A_426] : memref<2x200x64xf32, #tpu.memory_space<vmem>> -> memref<1x1x64xf32, #tpu.memory_space<vmem>>
        %dma_start3A_428 = tpu.memref_squeeze %dma_start3A_427 : memref<1x1x64xf32, #tpu.memory_space<vmem>> -> memref<64xf32, #tpu.memory_space<vmem>>
        %dma_start3A_429 = arith.constant 0 : i32
        %dma_start3A_430 = tpu.memref_slice %arg3[%squeeze3A_420, %dma_start3A_429] : memref<1000000x64xf32, #tpu.memory_space<hbm>> -> memref<1x64xf32, #tpu.memory_space<hbm>>
        %dma_start3A_431 = tpu.memref_squeeze %dma_start3A_430 : memref<1x64xf32, #tpu.memory_space<hbm>> -> memref<64xf32, #tpu.memory_space<hbm>>
        %dma_start3A_432 = arith.constant 0 : i32
        %dma_start3A_433 = tpu.memref_slice %arg6[%dma_start3A_425, %add3A_424, %dma_start3A_432] : memref<2x200x64xf32, #tpu.memory_space<vmem>> -> memref<1x1x64xf32, #tpu.memory_space<vmem>>
        %dma_start3A_434 = tpu.memref_squeeze %dma_start3A_433 : memref<1x1x64xf32, #tpu.memory_space<vmem>> -> memref<64xf32, #tpu.memory_space<vmem>>
        %dma_start3A_435 = arith.constant 0 : i32
        %dma_start3A_436 = tpu.memref_slice %arg3[%squeeze3A_420, %dma_start3A_435] : memref<1000000x64xf32, #tpu.memory_space<hbm>> -> memref<1x64xf32, #tpu.memory_space<hbm>>
        %dma_start3A_437 = tpu.memref_squeeze %dma_start3A_436 : memref<1x64xf32, #tpu.memory_space<hbm>> -> memref<64xf32, #tpu.memory_space<hbm>>
        tpu.enqueue_dma source(%dma_start3A_437 : memref<64xf32, #tpu.memory_space<hbm>>) target(%dma_start3A_434 : memref<64xf32, #tpu.memory_space<vmem>>) target_semaphore(%arg8 : memref<!tpu.dma_semaphore, #tpu.memory_space<semaphore_mem>>)
        %slice3A_438 = vector.extract_strided_slice %get3A_399 {offsets = [2], sizes = [1], strides = [1]} : vector<16xi32> to vector<1xi32>
        %squeeze3A_439 = vector.extract %slice3A_438[0] : i32 from vector<1xi32>
        %mul3A_440 = arith.constant 16 : i32
        %mul3A_441 = arith.muli %scan3A_390, %mul3A_440 : i32
        %add3A_442 = arith.constant 2 : i32
        %add3A_443 = arith.addi %mul3A_441, %add3A_442 : i32
        %dma_start3A_444 = arith.constant 1 : i32
        %dma_start3A_445 = arith.constant 0 : i32
        %dma_start3A_446 = tpu.memref_slice %arg6[%dma_start3A_444, %add3A_443, %dma_start3A_445] : memref<2x200x64xf32, #tpu.memory_space<vmem>> -> memref<1x1x64xf32, #tpu.memory_space<vmem>>
        %dma_start3A_447 = tpu.memref_squeeze %dma_start3A_446 : memref<1x1x64xf32, #tpu.memory_space<vmem>> -> memref<64xf32, #tpu.memory_space<vmem>>
        %dma_start3A_448 = arith.constant 0 : i32
        %dma_start3A_449 = tpu.memref_slice %arg3[%squeeze3A_439, %dma_start3A_448] : memref<1000000x64xf32, #tpu.memory_space<hbm>> -> memref<1x64xf32, #tpu.memory_space<hbm>>
        %dma_start3A_450 = tpu.memref_squeeze %dma_start3A_449 : memref<1x64xf32, #tpu.memory_space<hbm>> -> memref<64xf32, #tpu.memory_space<hbm>>
        %dma_start3A_451 = arith.constant 0 : i32
        %dma_start3A_452 = tpu.memref_slice %arg6[%dma_start3A_444, %add3A_443, %dma_start3A_451] : memref<2x200x64xf32, #tpu.memory_space<vmem>> -> memref<1x1x64xf32, #tpu.memory_space<vmem>>
        %dma_start3A_453 = tpu.memref_squeeze %dma_start3A_452 : memref<1x1x64xf32, #tpu.memory_space<vmem>> -> memref<64xf32, #tpu.memory_space<vmem>>
        %dma_start3A_454 = arith.constant 0 : i32
        %dma_start3A_455 = tpu.memref_slice %arg3[%squeeze3A_439, %dma_start3A_454] : memref<1000000x64xf32, #tpu.memory_space<hbm>> -> memref<1x64xf32, #tpu.memory_space<hbm>>
        %dma_start3A_456 = tpu.memref_squeeze %dma_start3A_455 : memref<1x64xf32, #tpu.memory_space<hbm>> -> memref<64xf32, #tpu.memory_space<hbm>>
        tpu.enqueue_dma source(%dma_start3A_456 : memref<64xf32, #tpu.memory_space<hbm>>) target(%dma_start3A_453 : memref<64xf32, #tpu.memory_space<vmem>>) target_semaphore(%arg8 : memref<!tpu.dma_semaphore, #tpu.memory_space<semaphore_mem>>)
        %slice3A_457 = vector.extract_strided_slice %get3A_399 {offsets = [3], sizes = [1], strides = [1]} : vector<16xi32> to vector<1xi32>
        %squeeze3A_458 = vector.extract %slice3A_457[0] : i32 from vector<1xi32>
        %mul3A_459 = arith.constant 16 : i32
        %mul3A_460 = arith.muli %scan3A_390, %mul3A_459 : i32
        %add3A_461 = arith.constant 3 : i32
        %add3A_462 = arith.addi %mul3A_460, %add3A_461 : i32
        %dma_start3A_463 = arith.constant 1 : i32
        %dma_start3A_464 = arith.constant 0 : i32
        %dma_start3A_465 = tpu.memref_slice %arg6[%dma_start3A_463, %add3A_462, %dma_start3A_464] : memref<2x200x64xf32, #tpu.memory_space<vmem>> -> memref<1x1x64xf32, #tpu.memory_space<vmem>>
        %dma_start3A_466 = tpu.memref_squeeze %dma_start3A_465 : memref<1x1x64xf32, #tpu.memory_space<vmem>> -> memref<64xf32, #tpu.memory_space<vmem>>
        %dma_start3A_467 = arith.constant 0 : i32
        %dma_start3A_468 = tpu.memref_slice %arg3[%squeeze3A_458, %dma_start3A_467] : memref<1000000x64xf32, #tpu.memory_space<hbm>> -> memref<1x64xf32, #tpu.memory_space<hbm>>
        %dma_start3A_469 = tpu.memref_squeeze %dma_start3A_468 : memref<1x64xf32, #tpu.memory_space<hbm>> -> memref<64xf32, #tpu.memory_space<hbm>>
        %dma_start3A_470 = arith.constant 0 : i32
        %dma_start3A_471 = tpu.memref_slice %arg6[%dma_start3A_463, %add3A_462, %dma_start3A_470] : memref<2x200x64xf32, #tpu.memory_space<vmem>> -> memref<1x1x64xf32, #tpu.memory_space<vmem>>
        %dma_start3A_472 = tpu.memref_squeeze %dma_start3A_471 : memref<1x1x64xf32, #tpu.memory_space<vmem>> -> memref<64xf32, #tpu.memory_space<vmem>>
        %dma_start3A_473 = arith.constant 0 : i32
        %dma_start3A_474 = tpu.memref_slice %arg3[%squeeze3A_458, %dma_start3A_473] : memref<1000000x64xf32, #tpu.memory_space<hbm>> -> memref<1x64xf32, #tpu.memory_space<hbm>>
        %dma_start3A_475 = tpu.memref_squeeze %dma_start3A_474 : memref<1x64xf32, #tpu.memory_space<hbm>> -> memref<64xf32, #tpu.memory_space<hbm>>
        tpu.enqueue_dma source(%dma_start3A_475 : memref<64xf32, #tpu.memory_space<hbm>>) target(%dma_start3A_472 : memref<64xf32, #tpu.memory_space<vmem>>) target_semaphore(%arg8 : memref<!tpu.dma_semaphore, #tpu.memory_space<semaphore_mem>>)
        %slice3A_476 = vector.extract_strided_slice %get3A_399 {offsets = [4], sizes = [1], strides = [1]} : vector<16xi32> to vector<1xi32>
        %squeeze3A_477 = vector.extract %slice3A_476[0] : i32 from vector<1xi32>
        %mul3A_478 = arith.constant 16 : i32
        %mul3A_479 = arith.muli %scan3A_390, %mul3A_478 : i32
        %add3A_480 = arith.constant 4 : i32
        %add3A_481 = arith.addi %mul3A_479, %add3A_480 : i32
        %dma_start3A_482 = arith.constant 1 : i32
        %dma_start3A_483 = arith.constant 0 : i32
        %dma_start3A_484 = tpu.memref_slice %arg6[%dma_start3A_482, %add3A_481, %dma_start3A_483] : memref<2x200x64xf32, #tpu.memory_space<vmem>> -> memref<1x1x64xf32, #tpu.memory_space<vmem>>
        %dma_start3A_485 = tpu.memref_squeeze %dma_start3A_484 : memref<1x1x64xf32, #tpu.memory_space<vmem>> -> memref<64xf32, #tpu.memory_space<vmem>>
        %dma_start3A_486 = arith.constant 0 : i32
        %dma_start3A_487 = tpu.memref_slice %arg3[%squeeze3A_477, %dma_start3A_486] : memref<1000000x64xf32, #tpu.memory_space<hbm>> -> memref<1x64xf32, #tpu.memory_space<hbm>>
        %dma_start3A_488 = tpu.memref_squeeze %dma_start3A_487 : memref<1x64xf32, #tpu.memory_space<hbm>> -> memref<64xf32, #tpu.memory_space<hbm>>
        %dma_start3A_489 = arith.constant 0 : i32
        %dma_start3A_490 = tpu.memref_slice %arg6[%dma_start3A_482, %add3A_481, %dma_start3A_489] : memref<2x200x64xf32, #tpu.memory_space<vmem>> -> memref<1x1x64xf32, #tpu.memory_space<vmem>>
        %dma_start3A_491 = tpu.memref_squeeze %dma_start3A_490 : memref<1x1x64xf32, #tpu.memory_space<vmem>> -> memref<64xf32, #tpu.memory_space<vmem>>
        %dma_start3A_492 = arith.constant 0 : i32
        %dma_start3A_493 = tpu.memref_slice %arg3[%squeeze3A_477, %dma_start3A_492] : memref<1000000x64xf32, #tpu.memory_space<hbm>> -> memref<1x64xf32, #tpu.memory_space<hbm>>
        %dma_start3A_494 = tpu.memref_squeeze %dma_start3A_493 : memref<1x64xf32, #tpu.memory_space<hbm>> -> memref<64xf32, #tpu.memory_space<hbm>>
        tpu.enqueue_dma source(%dma_start3A_494 : memref<64xf32, #tpu.memory_space<hbm>>) target(%dma_start3A_491 : memref<64xf32, #tpu.memory_space<vmem>>) target_semaphore(%arg8 : memref<!tpu.dma_semaphore, #tpu.memory_space<semaphore_mem>>)
        %slice3A_495 = vector.extract_strided_slice %get3A_399 {offsets = [5], sizes = [1], strides = [1]} : vector<16xi32> to vector<1xi32>
        %squeeze3A_496 = vector.extract %slice3A_495[0] : i32 from vector<1xi32>
        %mul3A_497 = arith.constant 16 : i32
        %mul3A_498 = arith.muli %scan3A_390, %mul3A_497 : i32
        %add3A_499 = arith.constant 5 : i32
        %add3A_500 = arith.addi %mul3A_498, %add3A_499 : i32
        %dma_start3A_501 = arith.constant 1 : i32
        %dma_start3A_502 = arith.constant 0 : i32
        %dma_start3A_503 = tpu.memref_slice %arg6[%dma_start3A_501, %add3A_500, %dma_start3A_502] : memref<2x200x64xf32, #tpu.memory_space<vmem>> -> memref<1x1x64xf32, #tpu.memory_space<vmem>>
        %dma_start3A_504 = tpu.memref_squeeze %dma_start3A_503 : memref<1x1x64xf32, #tpu.memory_space<vmem>> -> memref<64xf32, #tpu.memory_space<vmem>>
        %dma_start3A_505 = arith.constant 0 : i32
        %dma_start3A_506 = tpu.memref_slice %arg3[%squeeze3A_496, %dma_start3A_505] : memref<1000000x64xf32, #tpu.memory_space<hbm>> -> memref<1x64xf32, #tpu.memory_space<hbm>>
        %dma_start3A_507 = tpu.memref_squeeze %dma_start3A_506 : memref<1x64xf32, #tpu.memory_space<hbm>> -> memref<64xf32, #tpu.memory_space<hbm>>
        %dma_start3A_508 = arith.constant 0 : i32
        %dma_start3A_509 = tpu.memref_slice %arg6[%dma_start3A_501, %add3A_500, %dma_start3A_508] : memref<2x200x64xf32, #tpu.memory_space<vmem>> -> memref<1x1x64xf32, #tpu.memory_space<vmem>>
        %dma_start3A_510 = tpu.memref_squeeze %dma_start3A_509 : memref<1x1x64xf32, #tpu.memory_space<vmem>> -> memref<64xf32, #tpu.memory_space<vmem>>
        %dma_start3A_511 = arith.constant 0 : i32
        %dma_start3A_512 = tpu.memref_slice %arg3[%squeeze3A_496, %dma_start3A_511] : memref<1000000x64xf32, #tpu.memory_space<hbm>> -> memref<1x64xf32, #tpu.memory_space<hbm>>
        %dma_start3A_513 = tpu.memref_squeeze %dma_start3A_512 : memref<1x64xf32, #tpu.memory_space<hbm>> -> memref<64xf32, #tpu.memory_space<hbm>>
        tpu.enqueue_dma source(%dma_start3A_513 : memref<64xf32, #tpu.memory_space<hbm>>) target(%dma_start3A_510 : memref<64xf32, #tpu.memory_space<vmem>>) target_semaphore(%arg8 : memref<!tpu.dma_semaphore, #tpu.memory_space<semaphore_mem>>)
        %slice3A_514 = vector.extract_strided_slice %get3A_399 {offsets = [6], sizes = [1], strides = [1]} : vector<16xi32> to vector<1xi32>
        %squeeze3A_515 = vector.extract %slice3A_514[0] : i32 from vector<1xi32>
        %mul3A_516 = arith.constant 16 : i32
        %mul3A_517 = arith.muli %scan3A_390, %mul3A_516 : i32
        %add3A_518 = arith.constant 6 : i32
        %add3A_519 = arith.addi %mul3A_517, %add3A_518 : i32
        %dma_start3A_520 = arith.constant 1 : i32
        %dma_start3A_521 = arith.constant 0 : i32
        %dma_start3A_522 = tpu.memref_slice %arg6[%dma_start3A_520, %add3A_519, %dma_start3A_521] : memref<2x200x64xf32, #tpu.memory_space<vmem>> -> memref<1x1x64xf32, #tpu.memory_space<vmem>>
        %dma_start3A_523 = tpu.memref_squeeze %dma_start3A_522 : memref<1x1x64xf32, #tpu.memory_space<vmem>> -> memref<64xf32, #tpu.memory_space<vmem>>
        %dma_start3A_524 = arith.constant 0 : i32
        %dma_start3A_525 = tpu.memref_slice %arg3[%squeeze3A_515, %dma_start3A_524] : memref<1000000x64xf32, #tpu.memory_space<hbm>> -> memref<1x64xf32, #tpu.memory_space<hbm>>
        %dma_start3A_526 = tpu.memref_squeeze %dma_start3A_525 : memref<1x64xf32, #tpu.memory_space<hbm>> -> memref<64xf32, #tpu.memory_space<hbm>>
        %dma_start3A_527 = arith.constant 0 : i32
        %dma_start3A_528 = tpu.memref_slice %arg6[%dma_start3A_520, %add3A_519, %dma_start3A_527] : memref<2x200x64xf32, #tpu.memory_space<vmem>> -> memref<1x1x64xf32, #tpu.memory_space<vmem>>
        %dma_start3A_529 = tpu.memref_squeeze %dma_start3A_528 : memref<1x1x64xf32, #tpu.memory_space<vmem>> -> memref<64xf32, #tpu.memory_space<vmem>>
        %dma_start3A_530 = arith.constant 0 : i32
        %dma_start3A_531 = tpu.memref_slice %arg3[%squeeze3A_515, %dma_start3A_530] : memref<1000000x64xf32, #tpu.memory_space<hbm>> -> memref<1x64xf32, #tpu.memory_space<hbm>>
        %dma_start3A_532 = tpu.memref_squeeze %dma_start3A_531 : memref<1x64xf32, #tpu.memory_space<hbm>> -> memref<64xf32, #tpu.memory_space<hbm>>
        tpu.enqueue_dma source(%dma_start3A_532 : memref<64xf32, #tpu.memory_space<hbm>>) target(%dma_start3A_529 : memref<64xf32, #tpu.memory_space<vmem>>) target_semaphore(%arg8 : memref<!tpu.dma_semaphore, #tpu.memory_space<semaphore_mem>>)
        %slice3A_533 = vector.extract_strided_slice %get3A_399 {offsets = [7], sizes = [1], strides = [1]} : vector<16xi32> to vector<1xi32>
        %squeeze3A_534 = vector.extract %slice3A_533[0] : i32 from vector<1xi32>
        %mul3A_535 = arith.constant 16 : i32
        %mul3A_536 = arith.muli %scan3A_390, %mul3A_535 : i32
        %add3A_537 = arith.constant 7 : i32
        %add3A_538 = arith.addi %mul3A_536, %add3A_537 : i32
        %dma_start3A_539 = arith.constant 1 : i32
        %dma_start3A_540 = arith.constant 0 : i32
        %dma_start3A_541 = tpu.memref_slice %arg6[%dma_start3A_539, %add3A_538, %dma_start3A_540] : memref<2x200x64xf32, #tpu.memory_space<vmem>> -> memref<1x1x64xf32, #tpu.memory_space<vmem>>
        %dma_start3A_542 = tpu.memref_squeeze %dma_start3A_541 : memref<1x1x64xf32, #tpu.memory_space<vmem>> -> memref<64xf32, #tpu.memory_space<vmem>>
        %dma_start3A_543 = arith.constant 0 : i32
        %dma_start3A_544 = tpu.memref_slice %arg3[%squeeze3A_534, %dma_start3A_543] : memref<1000000x64xf32, #tpu.memory_space<hbm>> -> memref<1x64xf32, #tpu.memory_space<hbm>>
        %dma_start3A_545 = tpu.memref_squeeze %dma_start3A_544 : memref<1x64xf32, #tpu.memory_space<hbm>> -> memref<64xf32, #tpu.memory_space<hbm>>
        %dma_start3A_546 = arith.constant 0 : i32
        %dma_start3A_547 = tpu.memref_slice %arg6[%dma_start3A_539, %add3A_538, %dma_start3A_546] : memref<2x200x64xf32, #tpu.memory_space<vmem>> -> memref<1x1x64xf32, #tpu.memory_space<vmem>>
        %dma_start3A_548 = tpu.memref_squeeze %dma_start3A_547 : memref<1x1x64xf32, #tpu.memory_space<vmem>> -> memref<64xf32, #tpu.memory_space<vmem>>
        %dma_start3A_549 = arith.constant 0 : i32
        %dma_start3A_550 = tpu.memref_slice %arg3[%squeeze3A_534, %dma_start3A_549] : memref<1000000x64xf32, #tpu.memory_space<hbm>> -> memref<1x64xf32, #tpu.memory_space<hbm>>
        %dma_start3A_551 = tpu.memref_squeeze %dma_start3A_550 : memref<1x64xf32, #tpu.memory_space<hbm>> -> memref<64xf32, #tpu.memory_space<hbm>>
        tpu.enqueue_dma source(%dma_start3A_551 : memref<64xf32, #tpu.memory_space<hbm>>) target(%dma_start3A_548 : memref<64xf32, #tpu.memory_space<vmem>>) target_semaphore(%arg8 : memref<!tpu.dma_semaphore, #tpu.memory_space<semaphore_mem>>)
        %slice3A_552 = vector.extract_strided_slice %get3A_399 {offsets = [8], sizes = [1], strides = [1]} : vector<16xi32> to vector<1xi32>
        %squeeze3A_553 = vector.extract %slice3A_552[0] : i32 from vector<1xi32>
        %mul3A_554 = arith.constant 16 : i32
        %mul3A_555 = arith.muli %scan3A_390, %mul3A_554 : i32
        %add3A_556 = arith.constant 8 : i32
        %add3A_557 = arith.addi %mul3A_555, %add3A_556 : i32
        %dma_start3A_558 = arith.constant 1 : i32
        %dma_start3A_559 = arith.constant 0 : i32
        %dma_start3A_560 = tpu.memref_slice %arg6[%dma_start3A_558, %add3A_557, %dma_start3A_559] : memref<2x200x64xf32, #tpu.memory_space<vmem>> -> memref<1x1x64xf32, #tpu.memory_space<vmem>>
        %dma_start3A_561 = tpu.memref_squeeze %dma_start3A_560 : memref<1x1x64xf32, #tpu.memory_space<vmem>> -> memref<64xf32, #tpu.memory_space<vmem>>
        %dma_start3A_562 = arith.constant 0 : i32
        %dma_start3A_563 = tpu.memref_slice %arg3[%squeeze3A_553, %dma_start3A_562] : memref<1000000x64xf32, #tpu.memory_space<hbm>> -> memref<1x64xf32, #tpu.memory_space<hbm>>
        %dma_start3A_564 = tpu.memref_squeeze %dma_start3A_563 : memref<1x64xf32, #tpu.memory_space<hbm>> -> memref<64xf32, #tpu.memory_space<hbm>>
        %dma_start3A_565 = arith.constant 0 : i32
        %dma_start3A_566 = tpu.memref_slice %arg6[%dma_start3A_558, %add3A_557, %dma_start3A_565] : memref<2x200x64xf32, #tpu.memory_space<vmem>> -> memref<1x1x64xf32, #tpu.memory_space<vmem>>
        %dma_start3A_567 = tpu.memref_squeeze %dma_start3A_566 : memref<1x1x64xf32, #tpu.memory_space<vmem>> -> memref<64xf32, #tpu.memory_space<vmem>>
        %dma_start3A_568 = arith.constant 0 : i32
        %dma_start3A_569 = tpu.memref_slice %arg3[%squeeze3A_553, %dma_start3A_568] : memref<1000000x64xf32, #tpu.memory_space<hbm>> -> memref<1x64xf32, #tpu.memory_space<hbm>>
        %dma_start3A_570 = tpu.memref_squeeze %dma_start3A_569 : memref<1x64xf32, #tpu.memory_space<hbm>> -> memref<64xf32, #tpu.memory_space<hbm>>
        tpu.enqueue_dma source(%dma_start3A_570 : memref<64xf32, #tpu.memory_space<hbm>>) target(%dma_start3A_567 : memref<64xf32, #tpu.memory_space<vmem>>) target_semaphore(%arg8 : memref<!tpu.dma_semaphore, #tpu.memory_space<semaphore_mem>>)
        %slice3A_571 = vector.extract_strided_slice %get3A_399 {offsets = [9], sizes = [1], strides = [1]} : vector<16xi32> to vector<1xi32>
        %squeeze3A_572 = vector.extract %slice3A_571[0] : i32 from vector<1xi32>
        %mul3A_573 = arith.constant 16 : i32
        %mul3A_574 = arith.muli %scan3A_390, %mul3A_573 : i32
        %add3A_575 = arith.constant 9 : i32
        %add3A_576 = arith.addi %mul3A_574, %add3A_575 : i32
        %dma_start3A_577 = arith.constant 1 : i32
        %dma_start3A_578 = arith.constant 0 : i32
        %dma_start3A_579 = tpu.memref_slice %arg6[%dma_start3A_577, %add3A_576, %dma_start3A_578] : memref<2x200x64xf32, #tpu.memory_space<vmem>> -> memref<1x1x64xf32, #tpu.memory_space<vmem>>
        %dma_start3A_580 = tpu.memref_squeeze %dma_start3A_579 : memref<1x1x64xf32, #tpu.memory_space<vmem>> -> memref<64xf32, #tpu.memory_space<vmem>>
        %dma_start3A_581 = arith.constant 0 : i32
        %dma_start3A_582 = tpu.memref_slice %arg3[%squeeze3A_572, %dma_start3A_581] : memref<1000000x64xf32, #tpu.memory_space<hbm>> -> memref<1x64xf32, #tpu.memory_space<hbm>>
        %dma_start3A_583 = tpu.memref_squeeze %dma_start3A_582 : memref<1x64xf32, #tpu.memory_space<hbm>> -> memref<64xf32, #tpu.memory_space<hbm>>
        %dma_start3A_584 = arith.constant 0 : i32
        %dma_start3A_585 = tpu.memref_slice %arg6[%dma_start3A_577, %add3A_576, %dma_start3A_584] : memref<2x200x64xf32, #tpu.memory_space<vmem>> -> memref<1x1x64xf32, #tpu.memory_space<vmem>>
        %dma_start3A_586 = tpu.memref_squeeze %dma_start3A_585 : memref<1x1x64xf32, #tpu.memory_space<vmem>> -> memref<64xf32, #tpu.memory_space<vmem>>
        %dma_start3A_587 = arith.constant 0 : i32
        %dma_start3A_588 = tpu.memref_slice %arg3[%squeeze3A_572, %dma_start3A_587] : memref<1000000x64xf32, #tpu.memory_space<hbm>> -> memref<1x64xf32, #tpu.memory_space<hbm>>
        %dma_start3A_589 = tpu.memref_squeeze %dma_start3A_588 : memref<1x64xf32, #tpu.memory_space<hbm>> -> memref<64xf32, #tpu.memory_space<hbm>>
        tpu.enqueue_dma source(%dma_start3A_589 : memref<64xf32, #tpu.memory_space<hbm>>) target(%dma_start3A_586 : memref<64xf32, #tpu.memory_space<vmem>>) target_semaphore(%arg8 : memref<!tpu.dma_semaphore, #tpu.memory_space<semaphore_mem>>)
        %slice3A_590 = vector.extract_strided_slice %get3A_399 {offsets = [10], sizes = [1], strides = [1]} : vector<16xi32> to vector<1xi32>
        %squeeze3A_591 = vector.extract %slice3A_590[0] : i32 from vector<1xi32>
        %mul3A_592 = arith.constant 16 : i32
        %mul3A_593 = arith.muli %scan3A_390, %mul3A_592 : i32
        %add3A_594 = arith.constant 10 : i32
        %add3A_595 = arith.addi %mul3A_593, %add3A_594 : i32
        %dma_start3A_596 = arith.constant 1 : i32
        %dma_start3A_597 = arith.constant 0 : i32
        %dma_start3A_598 = tpu.memref_slice %arg6[%dma_start3A_596, %add3A_595, %dma_start3A_597] : memref<2x200x64xf32, #tpu.memory_space<vmem>> -> memref<1x1x64xf32, #tpu.memory_space<vmem>>
        %dma_start3A_599 = tpu.memref_squeeze %dma_start3A_598 : memref<1x1x64xf32, #tpu.memory_space<vmem>> -> memref<64xf32, #tpu.memory_space<vmem>>
        %dma_start3A_600 = arith.constant 0 : i32
        %dma_start3A_601 = tpu.memref_slice %arg3[%squeeze3A_591, %dma_start3A_600] : memref<1000000x64xf32, #tpu.memory_space<hbm>> -> memref<1x64xf32, #tpu.memory_space<hbm>>
        %dma_start3A_602 = tpu.memref_squeeze %dma_start3A_601 : memref<1x64xf32, #tpu.memory_space<hbm>> -> memref<64xf32, #tpu.memory_space<hbm>>
        %dma_start3A_603 = arith.constant 0 : i32
        %dma_start3A_604 = tpu.memref_slice %arg6[%dma_start3A_596, %add3A_595, %dma_start3A_603] : memref<2x200x64xf32, #tpu.memory_space<vmem>> -> memref<1x1x64xf32, #tpu.memory_space<vmem>>
        %dma_start3A_605 = tpu.memref_squeeze %dma_start3A_604 : memref<1x1x64xf32, #tpu.memory_space<vmem>> -> memref<64xf32, #tpu.memory_space<vmem>>
        %dma_start3A_606 = arith.constant 0 : i32
        %dma_start3A_607 = tpu.memref_slice %arg3[%squeeze3A_591, %dma_start3A_606] : memref<1000000x64xf32, #tpu.memory_space<hbm>> -> memref<1x64xf32, #tpu.memory_space<hbm>>
        %dma_start3A_608 = tpu.memref_squeeze %dma_start3A_607 : memref<1x64xf32, #tpu.memory_space<hbm>> -> memref<64xf32, #tpu.memory_space<hbm>>
        tpu.enqueue_dma source(%dma_start3A_608 : memref<64xf32, #tpu.memory_space<hbm>>) target(%dma_start3A_605 : memref<64xf32, #tpu.memory_space<vmem>>) target_semaphore(%arg8 : memref<!tpu.dma_semaphore, #tpu.memory_space<semaphore_mem>>)
        %slice3A_609 = vector.extract_strided_slice %get3A_399 {offsets = [11], sizes = [1], strides = [1]} : vector<16xi32> to vector<1xi32>
        %squeeze3A_610 = vector.extract %slice3A_609[0] : i32 from vector<1xi32>
        %mul3A_611 = arith.constant 16 : i32
        %mul3A_612 = arith.muli %scan3A_390, %mul3A_611 : i32
        %add3A_613 = arith.constant 11 : i32
        %add3A_614 = arith.addi %mul3A_612, %add3A_613 : i32
        %dma_start3A_615 = arith.constant 1 : i32
        %dma_start3A_616 = arith.constant 0 : i32
        %dma_start3A_617 = tpu.memref_slice %arg6[%dma_start3A_615, %add3A_614, %dma_start3A_616] : memref<2x200x64xf32, #tpu.memory_space<vmem>> -> memref<1x1x64xf32, #tpu.memory_space<vmem>>
        %dma_start3A_618 = tpu.memref_squeeze %dma_start3A_617 : memref<1x1x64xf32, #tpu.memory_space<vmem>> -> memref<64xf32, #tpu.memory_space<vmem>>
        %dma_start3A_619 = arith.constant 0 : i32
        %dma_start3A_620 = tpu.memref_slice %arg3[%squeeze3A_610, %dma_start3A_619] : memref<1000000x64xf32, #tpu.memory_space<hbm>> -> memref<1x64xf32, #tpu.memory_space<hbm>>
        %dma_start3A_621 = tpu.memref_squeeze %dma_start3A_620 : memref<1x64xf32, #tpu.memory_space<hbm>> -> memref<64xf32, #tpu.memory_space<hbm>>
        %dma_start3A_622 = arith.constant 0 : i32
        %dma_start3A_623 = tpu.memref_slice %arg6[%dma_start3A_615, %add3A_614, %dma_start3A_622] : memref<2x200x64xf32, #tpu.memory_space<vmem>> -> memref<1x1x64xf32, #tpu.memory_space<vmem>>
        %dma_start3A_624 = tpu.memref_squeeze %dma_start3A_623 : memref<1x1x64xf32, #tpu.memory_space<vmem>> -> memref<64xf32, #tpu.memory_space<vmem>>
        %dma_start3A_625 = arith.constant 0 : i32
        %dma_start3A_626 = tpu.memref_slice %arg3[%squeeze3A_610, %dma_start3A_625] : memref<1000000x64xf32, #tpu.memory_space<hbm>> -> memref<1x64xf32, #tpu.memory_space<hbm>>
        %dma_start3A_627 = tpu.memref_squeeze %dma_start3A_626 : memref<1x64xf32, #tpu.memory_space<hbm>> -> memref<64xf32, #tpu.memory_space<hbm>>
        tpu.enqueue_dma source(%dma_start3A_627 : memref<64xf32, #tpu.memory_space<hbm>>) target(%dma_start3A_624 : memref<64xf32, #tpu.memory_space<vmem>>) target_semaphore(%arg8 : memref<!tpu.dma_semaphore, #tpu.memory_space<semaphore_mem>>)
        %slice3A_628 = vector.extract_strided_slice %get3A_399 {offsets = [12], sizes = [1], strides = [1]} : vector<16xi32> to vector<1xi32>
        %squeeze3A_629 = vector.extract %slice3A_628[0] : i32 from vector<1xi32>
        %mul3A_630 = arith.constant 16 : i32
        %mul3A_631 = arith.muli %scan3A_390, %mul3A_630 : i32
        %add3A_632 = arith.constant 12 : i32
        %add3A_633 = arith.addi %mul3A_631, %add3A_632 : i32
        %dma_start3A_634 = arith.constant 1 : i32
        %dma_start3A_635 = arith.constant 0 : i32
        %dma_start3A_636 = tpu.memref_slice %arg6[%dma_start3A_634, %add3A_633, %dma_start3A_635] : memref<2x200x64xf32, #tpu.memory_space<vmem>> -> memref<1x1x64xf32, #tpu.memory_space<vmem>>
        %dma_start3A_637 = tpu.memref_squeeze %dma_start3A_636 : memref<1x1x64xf32, #tpu.memory_space<vmem>> -> memref<64xf32, #tpu.memory_space<vmem>>
        %dma_start3A_638 = arith.constant 0 : i32
        %dma_start3A_639 = tpu.memref_slice %arg3[%squeeze3A_629, %dma_start3A_638] : memref<1000000x64xf32, #tpu.memory_space<hbm>> -> memref<1x64xf32, #tpu.memory_space<hbm>>
        %dma_start3A_640 = tpu.memref_squeeze %dma_start3A_639 : memref<1x64xf32, #tpu.memory_space<hbm>> -> memref<64xf32, #tpu.memory_space<hbm>>
        %dma_start3A_641 = arith.constant 0 : i32
        %dma_start3A_642 = tpu.memref_slice %arg6[%dma_start3A_634, %add3A_633, %dma_start3A_641] : memref<2x200x64xf32, #tpu.memory_space<vmem>> -> memref<1x1x64xf32, #tpu.memory_space<vmem>>
        %dma_start3A_643 = tpu.memref_squeeze %dma_start3A_642 : memref<1x1x64xf32, #tpu.memory_space<vmem>> -> memref<64xf32, #tpu.memory_space<vmem>>
        %dma_start3A_644 = arith.constant 0 : i32
        %dma_start3A_645 = tpu.memref_slice %arg3[%squeeze3A_629, %dma_start3A_644] : memref<1000000x64xf32, #tpu.memory_space<hbm>> -> memref<1x64xf32, #tpu.memory_space<hbm>>
        %dma_start3A_646 = tpu.memref_squeeze %dma_start3A_645 : memref<1x64xf32, #tpu.memory_space<hbm>> -> memref<64xf32, #tpu.memory_space<hbm>>
        tpu.enqueue_dma source(%dma_start3A_646 : memref<64xf32, #tpu.memory_space<hbm>>) target(%dma_start3A_643 : memref<64xf32, #tpu.memory_space<vmem>>) target_semaphore(%arg8 : memref<!tpu.dma_semaphore, #tpu.memory_space<semaphore_mem>>)
        %slice3A_647 = vector.extract_strided_slice %get3A_399 {offsets = [13], sizes = [1], strides = [1]} : vector<16xi32> to vector<1xi32>
        %squeeze3A_648 = vector.extract %slice3A_647[0] : i32 from vector<1xi32>
        %mul3A_649 = arith.constant 16 : i32
        %mul3A_650 = arith.muli %scan3A_390, %mul3A_649 : i32
        %add3A_651 = arith.constant 13 : i32
        %add3A_652 = arith.addi %mul3A_650, %add3A_651 : i32
        %dma_start3A_653 = arith.constant 1 : i32
        %dma_start3A_654 = arith.constant 0 : i32
        %dma_start3A_655 = tpu.memref_slice %arg6[%dma_start3A_653, %add3A_652, %dma_start3A_654] : memref<2x200x64xf32, #tpu.memory_space<vmem>> -> memref<1x1x64xf32, #tpu.memory_space<vmem>>
        %dma_start3A_656 = tpu.memref_squeeze %dma_start3A_655 : memref<1x1x64xf32, #tpu.memory_space<vmem>> -> memref<64xf32, #tpu.memory_space<vmem>>
        %dma_start3A_657 = arith.constant 0 : i32
        %dma_start3A_658 = tpu.memref_slice %arg3[%squeeze3A_648, %dma_start3A_657] : memref<1000000x64xf32, #tpu.memory_space<hbm>> -> memref<1x64xf32, #tpu.memory_space<hbm>>
        %dma_start3A_659 = tpu.memref_squeeze %dma_start3A_658 : memref<1x64xf32, #tpu.memory_space<hbm>> -> memref<64xf32, #tpu.memory_space<hbm>>
        %dma_start3A_660 = arith.constant 0 : i32
        %dma_start3A_661 = tpu.memref_slice %arg6[%dma_start3A_653, %add3A_652, %dma_start3A_660] : memref<2x200x64xf32, #tpu.memory_space<vmem>> -> memref<1x1x64xf32, #tpu.memory_space<vmem>>
        %dma_start3A_662 = tpu.memref_squeeze %dma_start3A_661 : memref<1x1x64xf32, #tpu.memory_space<vmem>> -> memref<64xf32, #tpu.memory_space<vmem>>
        %dma_start3A_663 = arith.constant 0 : i32
        %dma_start3A_664 = tpu.memref_slice %arg3[%squeeze3A_648, %dma_start3A_663] : memref<1000000x64xf32, #tpu.memory_space<hbm>> -> memref<1x64xf32, #tpu.memory_space<hbm>>
        %dma_start3A_665 = tpu.memref_squeeze %dma_start3A_664 : memref<1x64xf32, #tpu.memory_space<hbm>> -> memref<64xf32, #tpu.memory_space<hbm>>
        tpu.enqueue_dma source(%dma_start3A_665 : memref<64xf32, #tpu.memory_space<hbm>>) target(%dma_start3A_662 : memref<64xf32, #tpu.memory_space<vmem>>) target_semaphore(%arg8 : memref<!tpu.dma_semaphore, #tpu.memory_space<semaphore_mem>>)
        %slice3A_666 = vector.extract_strided_slice %get3A_399 {offsets = [14], sizes = [1], strides = [1]} : vector<16xi32> to vector<1xi32>
        %squeeze3A_667 = vector.extract %slice3A_666[0] : i32 from vector<1xi32>
        %mul3A_668 = arith.constant 16 : i32
        %mul3A_669 = arith.muli %scan3A_390, %mul3A_668 : i32
        %add3A_670 = arith.constant 14 : i32
        %add3A_671 = arith.addi %mul3A_669, %add3A_670 : i32
        %dma_start3A_672 = arith.constant 1 : i32
        %dma_start3A_673 = arith.constant 0 : i32
        %dma_start3A_674 = tpu.memref_slice %arg6[%dma_start3A_672, %add3A_671, %dma_start3A_673] : memref<2x200x64xf32, #tpu.memory_space<vmem>> -> memref<1x1x64xf32, #tpu.memory_space<vmem>>
        %dma_start3A_675 = tpu.memref_squeeze %dma_start3A_674 : memref<1x1x64xf32, #tpu.memory_space<vmem>> -> memref<64xf32, #tpu.memory_space<vmem>>
        %dma_start3A_676 = arith.constant 0 : i32
        %dma_start3A_677 = tpu.memref_slice %arg3[%squeeze3A_667, %dma_start3A_676] : memref<1000000x64xf32, #tpu.memory_space<hbm>> -> memref<1x64xf32, #tpu.memory_space<hbm>>
        %dma_start3A_678 = tpu.memref_squeeze %dma_start3A_677 : memref<1x64xf32, #tpu.memory_space<hbm>> -> memref<64xf32, #tpu.memory_space<hbm>>
        %dma_start3A_679 = arith.constant 0 : i32
        %dma_start3A_680 = tpu.memref_slice %arg6[%dma_start3A_672, %add3A_671, %dma_start3A_679] : memref<2x200x64xf32, #tpu.memory_space<vmem>> -> memref<1x1x64xf32, #tpu.memory_space<vmem>>
        %dma_start3A_681 = tpu.memref_squeeze %dma_start3A_680 : memref<1x1x64xf32, #tpu.memory_space<vmem>> -> memref<64xf32, #tpu.memory_space<vmem>>
        %dma_start3A_682 = arith.constant 0 : i32
        %dma_start3A_683 = tpu.memref_slice %arg3[%squeeze3A_667, %dma_start3A_682] : memref<1000000x64xf32, #tpu.memory_space<hbm>> -> memref<1x64xf32, #tpu.memory_space<hbm>>
        %dma_start3A_684 = tpu.memref_squeeze %dma_start3A_683 : memref<1x64xf32, #tpu.memory_space<hbm>> -> memref<64xf32, #tpu.memory_space<hbm>>
        tpu.enqueue_dma source(%dma_start3A_684 : memref<64xf32, #tpu.memory_space<hbm>>) target(%dma_start3A_681 : memref<64xf32, #tpu.memory_space<vmem>>) target_semaphore(%arg8 : memref<!tpu.dma_semaphore, #tpu.memory_space<semaphore_mem>>)
        %slice3A_685 = vector.extract_strided_slice %get3A_399 {offsets = [15], sizes = [1], strides = [1]} : vector<16xi32> to vector<1xi32>
        %squeeze3A_686 = vector.extract %slice3A_685[0] : i32 from vector<1xi32>
        %mul3A_687 = arith.constant 16 : i32
        %mul3A_688 = arith.muli %scan3A_390, %mul3A_687 : i32
        %add3A_689 = arith.constant 15 : i32
        %add3A_690 = arith.addi %mul3A_688, %add3A_689 : i32
        %dma_start3A_691 = arith.constant 1 : i32
        %dma_start3A_692 = arith.constant 0 : i32
        %dma_start3A_693 = tpu.memref_slice %arg6[%dma_start3A_691, %add3A_690, %dma_start3A_692] : memref<2x200x64xf32, #tpu.memory_space<vmem>> -> memref<1x1x64xf32, #tpu.memory_space<vmem>>
        %dma_start3A_694 = tpu.memref_squeeze %dma_start3A_693 : memref<1x1x64xf32, #tpu.memory_space<vmem>> -> memref<64xf32, #tpu.memory_space<vmem>>
        %dma_start3A_695 = arith.constant 0 : i32
        %dma_start3A_696 = tpu.memref_slice %arg3[%squeeze3A_686, %dma_start3A_695] : memref<1000000x64xf32, #tpu.memory_space<hbm>> -> memref<1x64xf32, #tpu.memory_space<hbm>>
        %dma_start3A_697 = tpu.memref_squeeze %dma_start3A_696 : memref<1x64xf32, #tpu.memory_space<hbm>> -> memref<64xf32, #tpu.memory_space<hbm>>
        %dma_start3A_698 = arith.constant 0 : i32
        %dma_start3A_699 = tpu.memref_slice %arg6[%dma_start3A_691, %add3A_690, %dma_start3A_698] : memref<2x200x64xf32, #tpu.memory_space<vmem>> -> memref<1x1x64xf32, #tpu.memory_space<vmem>>
        %dma_start3A_700 = tpu.memref_squeeze %dma_start3A_699 : memref<1x1x64xf32, #tpu.memory_space<vmem>> -> memref<64xf32, #tpu.memory_space<vmem>>
        %dma_start3A_701 = arith.constant 0 : i32
        %dma_start3A_702 = tpu.memref_slice %arg3[%squeeze3A_686, %dma_start3A_701] : memref<1000000x64xf32, #tpu.memory_space<hbm>> -> memref<1x64xf32, #tpu.memory_space<hbm>>
        %dma_start3A_703 = tpu.memref_squeeze %dma_start3A_702 : memref<1x64xf32, #tpu.memory_space<hbm>> -> memref<64xf32, #tpu.memory_space<hbm>>
        tpu.enqueue_dma source(%dma_start3A_703 : memref<64xf32, #tpu.memory_space<hbm>>) target(%dma_start3A_700 : memref<64xf32, #tpu.memory_space<vmem>>) target_semaphore(%arg8 : memref<!tpu.dma_semaphore, #tpu.memory_space<semaphore_mem>>)
        %scan3A_704 = arith.constant 0 : i32
        scf.yield %scan3A_704 : i32
      }
      %scan3A_248 = arith.constant 12 : i32
      %mul3A_249 = arith.constant 200 : i32
      %mul3A_250 = arith.muli %add3A_236, %mul3A_249 : i32
      %add3A_251 = arith.constant 192 : i32
      %add3A_252 = arith.addi %mul3A_250, %add3A_251 : i32
      %get3A_253 = arith.index_cast %add3A_252 : i32 to index
      %get3A_254 = tpu.vector_load %arg5[%get3A_253] {strides = array<i32>} : memref<25616xi32, #tpu.memory_space<vmem>>, vector<16xi32>,
      %get3A_255 = vector.shape_cast %get3A_254 : vector<16xi32> to vector<16xi32>
      %slice3A_256 = vector.extract_strided_slice %get3A_255 {offsets = [0], sizes = [1], strides = [1]} : vector<16xi32> to vector<1xi32>
      %squeeze3A_257 = vector.extract %slice3A_256[0] : i32 from vector<1xi32>
      %dma_start3A_258 = arith.constant 1 : i32
      %dma_start3A_259 = arith.constant 192 : i32
      %dma_start3A_260 = arith.constant 0 : i32
      %dma_start3A_261 = tpu.memref_slice %arg6[%dma_start3A_258, %dma_start3A_259, %dma_start3A_260] : memref<2x200x64xf32, #tpu.memory_space<vmem>> -> memref<1x1x64xf32, #tpu.memory_space<vmem>>
      %dma_start3A_262 = tpu.memref_squeeze %dma_start3A_261 : memref<1x1x64xf32, #tpu.memory_space<vmem>> -> memref<64xf32, #tpu.memory_space<vmem>>
      %dma_start3A_263 = arith.constant 0 : i32
      %dma_start3A_264 = tpu.memref_slice %arg3[%squeeze3A_257, %dma_start3A_263] : memref<1000000x64xf32, #tpu.memory_space<hbm>> -> memref<1x64xf32, #tpu.memory_space<hbm>>
      %dma_start3A_265 = tpu.memref_squeeze %dma_start3A_264 : memref<1x64xf32, #tpu.memory_space<hbm>> -> memref<64xf32, #tpu.memory_space<hbm>>
      %dma_start3A_266 = arith.constant 0 : i32
      %dma_start3A_267 = tpu.memref_slice %arg6[%dma_start3A_258, %dma_start3A_259, %dma_start3A_266] : memref<2x200x64xf32, #tpu.memory_space<vmem>> -> memref<1x1x64xf32, #tpu.memory_space<vmem>>
      %dma_start3A_268 = tpu.memref_squeeze %dma_start3A_267 : memref<1x1x64xf32, #tpu.memory_space<vmem>> -> memref<64xf32, #tpu.memory_space<vmem>>
      %dma_start3A_269 = arith.constant 0 : i32
      %dma_start3A_270 = tpu.memref_slice %arg3[%squeeze3A_257, %dma_start3A_269] : memref<1000000x64xf32, #tpu.memory_space<hbm>> -> memref<1x64xf32, #tpu.memory_space<hbm>>
      %dma_start3A_271 = tpu.memref_squeeze %dma_start3A_270 : memref<1x64xf32, #tpu.memory_space<hbm>> -> memref<64xf32, #tpu.memory_space<hbm>>
      tpu.enqueue_dma source(%dma_start3A_271 : memref<64xf32, #tpu.memory_space<hbm>>) target(%dma_start3A_268 : memref<64xf32, #tpu.memory_space<vmem>>) target_semaphore(%arg8 : memref<!tpu.dma_semaphore, #tpu.memory_space<semaphore_mem>>)
      %slice3A_272 = vector.extract_strided_slice %get3A_255 {offsets = [1], sizes = [1], strides = [1]} : vector<16xi32> to vector<1xi32>
      %squeeze3A_273 = vector.extract %slice3A_272[0] : i32 from vector<1xi32>
      %dma_start3A_274 = arith.constant 1 : i32
      %dma_start3A_275 = arith.constant 193 : i32
      %dma_start3A_276 = arith.constant 0 : i32
      %dma_start3A_277 = tpu.memref_slice %arg6[%dma_start3A_274, %dma_start3A_275, %dma_start3A_276] : memref<2x200x64xf32, #tpu.memory_space<vmem>> -> memref<1x1x64xf32, #tpu.memory_space<vmem>>
      %dma_start3A_278 = tpu.memref_squeeze %dma_start3A_277 : memref<1x1x64xf32, #tpu.memory_space<vmem>> -> memref<64xf32, #tpu.memory_space<vmem>>
      %dma_start3A_279 = arith.constant 0 : i32
      %dma_start3A_280 = tpu.memref_slice %arg3[%squeeze3A_273, %dma_start3A_279] : memref<1000000x64xf32, #tpu.memory_space<hbm>> -> memref<1x64xf32, #tpu.memory_space<hbm>>
      %dma_start3A_281 = tpu.memref_squeeze %dma_start3A_280 : memref<1x64xf32, #tpu.memory_space<hbm>> -> memref<64xf32, #tpu.memory_space<hbm>>
      %dma_start3A_282 = arith.constant 0 : i32
      %dma_start3A_283 = tpu.memref_slice %arg6[%dma_start3A_274, %dma_start3A_275, %dma_start3A_282] : memref<2x200x64xf32, #tpu.memory_space<vmem>> -> memref<1x1x64xf32, #tpu.memory_space<vmem>>
      %dma_start3A_284 = tpu.memref_squeeze %dma_start3A_283 : memref<1x1x64xf32, #tpu.memory_space<vmem>> -> memref<64xf32, #tpu.memory_space<vmem>>
      %dma_start3A_285 = arith.constant 0 : i32
      %dma_start3A_286 = tpu.memref_slice %arg3[%squeeze3A_273, %dma_start3A_285] : memref<1000000x64xf32, #tpu.memory_space<hbm>> -> memref<1x64xf32, #tpu.memory_space<hbm>>
      %dma_start3A_287 = tpu.memref_squeeze %dma_start3A_286 : memref<1x64xf32, #tpu.memory_space<hbm>> -> memref<64xf32, #tpu.memory_space<hbm>>
      tpu.enqueue_dma source(%dma_start3A_287 : memref<64xf32, #tpu.memory_space<hbm>>) target(%dma_start3A_284 : memref<64xf32, #tpu.memory_space<vmem>>) target_semaphore(%arg8 : memref<!tpu.dma_semaphore, #tpu.memory_space<semaphore_mem>>)
      %slice3A_288 = vector.extract_strided_slice %get3A_255 {offsets = [2], sizes = [1], strides = [1]} : vector<16xi32> to vector<1xi32>
      %squeeze3A_289 = vector.extract %slice3A_288[0] : i32 from vector<1xi32>
      %dma_start3A_290 = arith.constant 1 : i32
      %dma_start3A_291 = arith.constant 194 : i32
      %dma_start3A_292 = arith.constant 0 : i32
      %dma_start3A_293 = tpu.memref_slice %arg6[%dma_start3A_290, %dma_start3A_291, %dma_start3A_292] : memref<2x200x64xf32, #tpu.memory_space<vmem>> -> memref<1x1x64xf32, #tpu.memory_space<vmem>>
      %dma_start3A_294 = tpu.memref_squeeze %dma_start3A_293 : memref<1x1x64xf32, #tpu.memory_space<vmem>> -> memref<64xf32, #tpu.memory_space<vmem>>
      %dma_start3A_295 = arith.constant 0 : i32
      %dma_start3A_296 = tpu.memref_slice %arg3[%squeeze3A_289, %dma_start3A_295] : memref<1000000x64xf32, #tpu.memory_space<hbm>> -> memref<1x64xf32, #tpu.memory_space<hbm>>
      %dma_start3A_297 = tpu.memref_squeeze %dma_start3A_296 : memref<1x64xf32, #tpu.memory_space<hbm>> -> memref<64xf32, #tpu.memory_space<hbm>>
      %dma_start3A_298 = arith.constant 0 : i32
      %dma_start3A_299 = tpu.memref_slice %arg6[%dma_start3A_290, %dma_start3A_291, %dma_start3A_298] : memref<2x200x64xf32, #tpu.memory_space<vmem>> -> memref<1x1x64xf32, #tpu.memory_space<vmem>>
      %dma_start3A_300 = tpu.memref_squeeze %dma_start3A_299 : memref<1x1x64xf32, #tpu.memory_space<vmem>> -> memref<64xf32, #tpu.memory_space<vmem>>
      %dma_start3A_301 = arith.constant 0 : i32
      %dma_start3A_302 = tpu.memref_slice %arg3[%squeeze3A_289, %dma_start3A_301] : memref<1000000x64xf32, #tpu.memory_space<hbm>> -> memref<1x64xf32, #tpu.memory_space<hbm>>
      %dma_start3A_303 = tpu.memref_squeeze %dma_start3A_302 : memref<1x64xf32, #tpu.memory_space<hbm>> -> memref<64xf32, #tpu.memory_space<hbm>>
      tpu.enqueue_dma source(%dma_start3A_303 : memref<64xf32, #tpu.memory_space<hbm>>) target(%dma_start3A_300 : memref<64xf32, #tpu.memory_space<vmem>>) target_semaphore(%arg8 : memref<!tpu.dma_semaphore, #tpu.memory_space<semaphore_mem>>)
      %slice3A_304 = vector.extract_strided_slice %get3A_255 {offsets = [3], sizes = [1], strides = [1]} : vector<16xi32> to vector<1xi32>
      %squeeze3A_305 = vector.extract %slice3A_304[0] : i32 from vector<1xi32>
      %dma_start3A_306 = arith.constant 1 : i32
      %dma_start3A_307 = arith.constant 195 : i32
      %dma_start3A_308 = arith.constant 0 : i32
      %dma_start3A_309 = tpu.memref_slice %arg6[%dma_start3A_306, %dma_start3A_307, %dma_start3A_308] : memref<2x200x64xf32, #tpu.memory_space<vmem>> -> memref<1x1x64xf32, #tpu.memory_space<vmem>>
      %dma_start3A_310 = tpu.memref_squeeze %dma_start3A_309 : memref<1x1x64xf32, #tpu.memory_space<vmem>> -> memref<64xf32, #tpu.memory_space<vmem>>
      %dma_start3A_311 = arith.constant 0 : i32
      %dma_start3A_312 = tpu.memref_slice %arg3[%squeeze3A_305, %dma_start3A_311] : memref<1000000x64xf32, #tpu.memory_space<hbm>> -> memref<1x64xf32, #tpu.memory_space<hbm>>
      %dma_start3A_313 = tpu.memref_squeeze %dma_start3A_312 : memref<1x64xf32, #tpu.memory_space<hbm>> -> memref<64xf32, #tpu.memory_space<hbm>>
      %dma_start3A_314 = arith.constant 0 : i32
      %dma_start3A_315 = tpu.memref_slice %arg6[%dma_start3A_306, %dma_start3A_307, %dma_start3A_314] : memref<2x200x64xf32, #tpu.memory_space<vmem>> -> memref<1x1x64xf32, #tpu.memory_space<vmem>>
      %dma_start3A_316 = tpu.memref_squeeze %dma_start3A_315 : memref<1x1x64xf32, #tpu.memory_space<vmem>> -> memref<64xf32, #tpu.memory_space<vmem>>
      %dma_start3A_317 = arith.constant 0 : i32
      %dma_start3A_318 = tpu.memref_slice %arg3[%squeeze3A_305, %dma_start3A_317] : memref<1000000x64xf32, #tpu.memory_space<hbm>> -> memref<1x64xf32, #tpu.memory_space<hbm>>
      %dma_start3A_319 = tpu.memref_squeeze %dma_start3A_318 : memref<1x64xf32, #tpu.memory_space<hbm>> -> memref<64xf32, #tpu.memory_space<hbm>>
      tpu.enqueue_dma source(%dma_start3A_319 : memref<64xf32, #tpu.memory_space<hbm>>) target(%dma_start3A_316 : memref<64xf32, #tpu.memory_space<vmem>>) target_semaphore(%arg8 : memref<!tpu.dma_semaphore, #tpu.memory_space<semaphore_mem>>)
      %slice3A_320 = vector.extract_strided_slice %get3A_255 {offsets = [4], sizes = [1], strides = [1]} : vector<16xi32> to vector<1xi32>
      %squeeze3A_321 = vector.extract %slice3A_320[0] : i32 from vector<1xi32>
      %dma_start3A_322 = arith.constant 1 : i32
      %dma_start3A_323 = arith.constant 196 : i32
      %dma_start3A_324 = arith.constant 0 : i32
      %dma_start3A_325 = tpu.memref_slice %arg6[%dma_start3A_322, %dma_start3A_323, %dma_start3A_324] : memref<2x200x64xf32, #tpu.memory_space<vmem>> -> memref<1x1x64xf32, #tpu.memory_space<vmem>>
      %dma_start3A_326 = tpu.memref_squeeze %dma_start3A_325 : memref<1x1x64xf32, #tpu.memory_space<vmem>> -> memref<64xf32, #tpu.memory_space<vmem>>
      %dma_start3A_327 = arith.constant 0 : i32
      %dma_start3A_328 = tpu.memref_slice %arg3[%squeeze3A_321, %dma_start3A_327] : memref<1000000x64xf32, #tpu.memory_space<hbm>> -> memref<1x64xf32, #tpu.memory_space<hbm>>
      %dma_start3A_329 = tpu.memref_squeeze %dma_start3A_328 : memref<1x64xf32, #tpu.memory_space<hbm>> -> memref<64xf32, #tpu.memory_space<hbm>>
      %dma_start3A_330 = arith.constant 0 : i32
      %dma_start3A_331 = tpu.memref_slice %arg6[%dma_start3A_322, %dma_start3A_323, %dma_start3A_330] : memref<2x200x64xf32, #tpu.memory_space<vmem>> -> memref<1x1x64xf32, #tpu.memory_space<vmem>>
      %dma_start3A_332 = tpu.memref_squeeze %dma_start3A_331 : memref<1x1x64xf32, #tpu.memory_space<vmem>> -> memref<64xf32, #tpu.memory_space<vmem>>
      %dma_start3A_333 = arith.constant 0 : i32
      %dma_start3A_334 = tpu.memref_slice %arg3[%squeeze3A_321, %dma_start3A_333] : memref<1000000x64xf32, #tpu.memory_space<hbm>> -> memref<1x64xf32, #tpu.memory_space<hbm>>
      %dma_start3A_335 = tpu.memref_squeeze %dma_start3A_334 : memref<1x64xf32, #tpu.memory_space<hbm>> -> memref<64xf32, #tpu.memory_space<hbm>>
      tpu.enqueue_dma source(%dma_start3A_335 : memref<64xf32, #tpu.memory_space<hbm>>) target(%dma_start3A_332 : memref<64xf32, #tpu.memory_space<vmem>>) target_semaphore(%arg8 : memref<!tpu.dma_semaphore, #tpu.memory_space<semaphore_mem>>)
      %slice3A_336 = vector.extract_strided_slice %get3A_255 {offsets = [5], sizes = [1], strides = [1]} : vector<16xi32> to vector<1xi32>
      %squeeze3A_337 = vector.extract %slice3A_336[0] : i32 from vector<1xi32>
      %dma_start3A_338 = arith.constant 1 : i32
      %dma_start3A_339 = arith.constant 197 : i32
      %dma_start3A_340 = arith.constant 0 : i32
      %dma_start3A_341 = tpu.memref_slice %arg6[%dma_start3A_338, %dma_start3A_339, %dma_start3A_340] : memref<2x200x64xf32, #tpu.memory_space<vmem>> -> memref<1x1x64xf32, #tpu.memory_space<vmem>>
      %dma_start3A_342 = tpu.memref_squeeze %dma_start3A_341 : memref<1x1x64xf32, #tpu.memory_space<vmem>> -> memref<64xf32, #tpu.memory_space<vmem>>
      %dma_start3A_343 = arith.constant 0 : i32
      %dma_start3A_344 = tpu.memref_slice %arg3[%squeeze3A_337, %dma_start3A_343] : memref<1000000x64xf32, #tpu.memory_space<hbm>> -> memref<1x64xf32, #tpu.memory_space<hbm>>
      %dma_start3A_345 = tpu.memref_squeeze %dma_start3A_344 : memref<1x64xf32, #tpu.memory_space<hbm>> -> memref<64xf32, #tpu.memory_space<hbm>>
      %dma_start3A_346 = arith.constant 0 : i32
      %dma_start3A_347 = tpu.memref_slice %arg6[%dma_start3A_338, %dma_start3A_339, %dma_start3A_346] : memref<2x200x64xf32, #tpu.memory_space<vmem>> -> memref<1x1x64xf32, #tpu.memory_space<vmem>>
      %dma_start3A_348 = tpu.memref_squeeze %dma_start3A_347 : memref<1x1x64xf32, #tpu.memory_space<vmem>> -> memref<64xf32, #tpu.memory_space<vmem>>
      %dma_start3A_349 = arith.constant 0 : i32
      %dma_start3A_350 = tpu.memref_slice %arg3[%squeeze3A_337, %dma_start3A_349] : memref<1000000x64xf32, #tpu.memory_space<hbm>> -> memref<1x64xf32, #tpu.memory_space<hbm>>
      %dma_start3A_351 = tpu.memref_squeeze %dma_start3A_350 : memref<1x64xf32, #tpu.memory_space<hbm>> -> memref<64xf32, #tpu.memory_space<hbm>>
      tpu.enqueue_dma source(%dma_start3A_351 : memref<64xf32, #tpu.memory_space<hbm>>) target(%dma_start3A_348 : memref<64xf32, #tpu.memory_space<vmem>>) target_semaphore(%arg8 : memref<!tpu.dma_semaphore, #tpu.memory_space<semaphore_mem>>)
      %slice3A_352 = vector.extract_strided_slice %get3A_255 {offsets = [6], sizes = [1], strides = [1]} : vector<16xi32> to vector<1xi32>
      %squeeze3A_353 = vector.extract %slice3A_352[0] : i32 from vector<1xi32>
      %dma_start3A_354 = arith.constant 1 : i32
      %dma_start3A_355 = arith.constant 198 : i32
      %dma_start3A_356 = arith.constant 0 : i32
      %dma_start3A_357 = tpu.memref_slice %arg6[%dma_start3A_354, %dma_start3A_355, %dma_start3A_356] : memref<2x200x64xf32, #tpu.memory_space<vmem>> -> memref<1x1x64xf32, #tpu.memory_space<vmem>>
      %dma_start3A_358 = tpu.memref_squeeze %dma_start3A_357 : memref<1x1x64xf32, #tpu.memory_space<vmem>> -> memref<64xf32, #tpu.memory_space<vmem>>
      %dma_start3A_359 = arith.constant 0 : i32
      %dma_start3A_360 = tpu.memref_slice %arg3[%squeeze3A_353, %dma_start3A_359] : memref<1000000x64xf32, #tpu.memory_space<hbm>> -> memref<1x64xf32, #tpu.memory_space<hbm>>
      %dma_start3A_361 = tpu.memref_squeeze %dma_start3A_360 : memref<1x64xf32, #tpu.memory_space<hbm>> -> memref<64xf32, #tpu.memory_space<hbm>>
      %dma_start3A_362 = arith.constant 0 : i32
      %dma_start3A_363 = tpu.memref_slice %arg6[%dma_start3A_354, %dma_start3A_355, %dma_start3A_362] : memref<2x200x64xf32, #tpu.memory_space<vmem>> -> memref<1x1x64xf32, #tpu.memory_space<vmem>>
      %dma_start3A_364 = tpu.memref_squeeze %dma_start3A_363 : memref<1x1x64xf32, #tpu.memory_space<vmem>> -> memref<64xf32, #tpu.memory_space<vmem>>
      %dma_start3A_365 = arith.constant 0 : i32
      %dma_start3A_366 = tpu.memref_slice %arg3[%squeeze3A_353, %dma_start3A_365] : memref<1000000x64xf32, #tpu.memory_space<hbm>> -> memref<1x64xf32, #tpu.memory_space<hbm>>
      %dma_start3A_367 = tpu.memref_squeeze %dma_start3A_366 : memref<1x64xf32, #tpu.memory_space<hbm>> -> memref<64xf32, #tpu.memory_space<hbm>>
      tpu.enqueue_dma source(%dma_start3A_367 : memref<64xf32, #tpu.memory_space<hbm>>) target(%dma_start3A_364 : memref<64xf32, #tpu.memory_space<vmem>>) target_semaphore(%arg8 : memref<!tpu.dma_semaphore, #tpu.memory_space<semaphore_mem>>)
      %slice3A_368 = vector.extract_strided_slice %get3A_255 {offsets = [7], sizes = [1], strides = [1]} : vector<16xi32> to vector<1xi32>
      %squeeze3A_369 = vector.extract %slice3A_368[0] : i32 from vector<1xi32>
      %dma_start3A_370 = arith.constant 1 : i32
      %dma_start3A_371 = arith.constant 199 : i32
      %dma_start3A_372 = arith.constant 0 : i32
      %dma_start3A_373 = tpu.memref_slice %arg6[%dma_start3A_370, %dma_start3A_371, %dma_start3A_372] : memref<2x200x64xf32, #tpu.memory_space<vmem>> -> memref<1x1x64xf32, #tpu.memory_space<vmem>>
      %dma_start3A_374 = tpu.memref_squeeze %dma_start3A_373 : memref<1x1x64xf32, #tpu.memory_space<vmem>> -> memref<64xf32, #tpu.memory_space<vmem>>
      %dma_start3A_375 = arith.constant 0 : i32
      %dma_start3A_376 = tpu.memref_slice %arg3[%squeeze3A_369, %dma_start3A_375] : memref<1000000x64xf32, #tpu.memory_space<hbm>> -> memref<1x64xf32, #tpu.memory_space<hbm>>
      %dma_start3A_377 = tpu.memref_squeeze %dma_start3A_376 : memref<1x64xf32, #tpu.memory_space<hbm>> -> memref<64xf32, #tpu.memory_space<hbm>>
      %dma_start3A_378 = arith.constant 0 : i32
      %dma_start3A_379 = tpu.memref_slice %arg6[%dma_start3A_370, %dma_start3A_371, %dma_start3A_378] : memref<2x200x64xf32, #tpu.memory_space<vmem>> -> memref<1x1x64xf32, #tpu.memory_space<vmem>>
      %dma_start3A_380 = tpu.memref_squeeze %dma_start3A_379 : memref<1x1x64xf32, #tpu.memory_space<vmem>> -> memref<64xf32, #tpu.memory_space<vmem>>
      %dma_start3A_381 = arith.constant 0 : i32
      %dma_start3A_382 = tpu.memref_slice %arg3[%squeeze3A_369, %dma_start3A_381] : memref<1000000x64xf32, #tpu.memory_space<hbm>> -> memref<1x64xf32, #tpu.memory_space<hbm>>
      %dma_start3A_383 = tpu.memref_squeeze %dma_start3A_382 : memref<1x64xf32, #tpu.memory_space<hbm>> -> memref<64xf32, #tpu.memory_space<hbm>>
      tpu.enqueue_dma source(%dma_start3A_383 : memref<64xf32, #tpu.memory_space<hbm>>) target(%dma_start3A_380 : memref<64xf32, #tpu.memory_space<vmem>>) target_semaphore(%arg8 : memref<!tpu.dma_semaphore, #tpu.memory_space<semaphore_mem>>)
      %ge3A_384 = arith.constant 1 : i32
      %ge3A_385 = arith.cmpi sge, %add3A_236, %ge3A_384 : i32
      %convert_element_type3A_386 = arith.extui %ge3A_385 : i1 to i32
      %cond3A_387 = arith.constant 0 : i32
      %cond3A_388 = arith.cmpi ne, %convert_element_type3A_386, %cond3A_387 : i32
      scf.if %cond3A_388 {
        %dma_wait3A_390 = arith.constant 0 : i32
        %dma_wait3A_391 = arith.constant 0 : i32
        %dma_wait3A_392 = arith.constant 0 : i32
        %dma_wait3A_393 = tpu.memref_slice %arg6[%dma_wait3A_390, %dma_wait3A_391, %dma_wait3A_392] : memref<2x200x64xf32, #tpu.memory_space<vmem>> -> memref<1x200x64xf32, #tpu.memory_space<vmem>>
        %dma_wait3A_394 = tpu.memref_squeeze %dma_wait3A_393 : memref<1x200x64xf32, #tpu.memory_space<vmem>> -> memref<200x64xf32, #tpu.memory_space<vmem>>
        %dma_wait3A_395 = arith.constant 0 : i32
        %dma_wait3A_396 = arith.constant 0 : i32
        %dma_wait3A_397 = tpu.memref_slice %arg3[%dma_wait3A_395, %dma_wait3A_396] : memref<1000000x64xf32, #tpu.memory_space<hbm>> -> memref<200x64xf32, #tpu.memory_space<hbm>>
        %dma_wait3A_398 = arith.constant 0 : i32
        %dma_wait3A_399 = arith.constant 0 : i32
        %dma_wait3A_400 = tpu.memref_slice %arg6[%dma_wait3A_390, %dma_wait3A_398, %dma_wait3A_399] : memref<2x200x64xf32, #tpu.memory_space<vmem>> -> memref<1x200x64xf32, #tpu.memory_space<vmem>>
        %dma_wait3A_401 = tpu.memref_squeeze %dma_wait3A_400 : memref<1x200x64xf32, #tpu.memory_space<vmem>> -> memref<200x64xf32, #tpu.memory_space<vmem>>
        %dma_wait3A_402 = arith.constant 0 : i32
        %dma_wait3A_403 = arith.constant 0 : i32
        %dma_wait3A_404 = tpu.memref_slice %arg3[%dma_wait3A_402, %dma_wait3A_403] : memref<1000000x64xf32, #tpu.memory_space<hbm>> -> memref<200x64xf32, #tpu.memory_space<hbm>>
        tpu.wait_dma2 semaphore(%arg7 : memref<!tpu.dma_semaphore, #tpu.memory_space<semaphore_mem>>) src(%dma_wait3A_404 : memref<200x64xf32, #tpu.memory_space<hbm>>) dst(%dma_wait3A_401 : memref<200x64xf32, #tpu.memory_space<vmem>>)
        %sub3A = arith.constant 1 : i32
        %sub3A_405 = arith.subi %add3A_236, %sub3A : i32
        %add3A_406 = arith.addi %mul3A_2, %sub3A_405 : i32
        %dma_start3A_407 = arith.constant 0 : i32
        %dma_start3A_408 = arith.constant 0 : i32
        %dma_start3A_409 = arith.constant 0 : i32
        %dma_start3A_410 = tpu.memref_slice %arg6[%dma_start3A_407, %dma_start3A_408, %dma_start3A_409] : memref<2x200x64xf32, #tpu.memory_space<vmem>> -> memref<1x200x64xf32, #tpu.memory_space<vmem>>
        %dma_start3A_411 = tpu.memref_squeeze %dma_start3A_410 : memref<1x200x64xf32, #tpu.memory_space<vmem>> -> memref<200x64xf32, #tpu.memory_space<vmem>>
        %dma_start3A_412 = arith.constant 0 : i32
        %dma_start3A_413 = arith.constant 0 : i32
        %dma_start3A_414 = tpu.memref_slice %arg4[%add3A_406, %dma_start3A_412, %dma_start3A_413] : memref<4096x200x64xf32, #tpu.memory_space<hbm>> -> memref<1x200x64xf32, #tpu.memory_space<hbm>>
        %dma_start3A_415 = tpu.memref_squeeze %dma_start3A_414 : memref<1x200x64xf32, #tpu.memory_space<hbm>> -> memref<200x64xf32, #tpu.memory_space<hbm>>
        %dma_start3A_416 = arith.constant 0 : i32
        %dma_start3A_417 = arith.constant 0 : i32
        %dma_start3A_418 = tpu.memref_slice %arg4[%add3A_406, %dma_start3A_416, %dma_start3A_417] : memref<4096x200x64xf32, #tpu.memory_space<hbm>> -> memref<1x200x64xf32, #tpu.memory_space<hbm>>
        %dma_start3A_419 = tpu.memref_squeeze %dma_start3A_418 : memref<1x200x64xf32, #tpu.memory_space<hbm>> -> memref<200x64xf32, #tpu.memory_space<hbm>>
        %dma_start3A_420 = arith.constant 0 : i32
        %dma_start3A_421 = arith.constant 0 : i32
        %dma_start3A_422 = tpu.memref_slice %arg6[%dma_start3A_407, %dma_start3A_420, %dma_start3A_421] : memref<2x200x64xf32, #tpu.memory_space<vmem>> -> memref<1x200x64xf32, #tpu.memory_space<vmem>>
        %dma_start3A_423 = tpu.memref_squeeze %dma_start3A_422 : memref<1x200x64xf32, #tpu.memory_space<vmem>> -> memref<200x64xf32, #tpu.memory_space<vmem>>
        tpu.enqueue_dma source(%dma_start3A_423 : memref<200x64xf32, #tpu.memory_space<vmem>>) target(%dma_start3A_419 : memref<200x64xf32, #tpu.memory_space<hbm>>) target_semaphore(%arg9 : memref<!tpu.dma_semaphore, #tpu.memory_space<semaphore_mem>>)
      } else {
      }
      %scan3A_389 = arith.constant 0 : i32
      scf.yield %scan3A_389 : i32
    }
    %scan3A_10 = arith.constant 64 : i32
    %dma_wait3A = arith.constant 1 : i32
    %dma_wait3A_11 = arith.constant 0 : i32
    %dma_wait3A_12 = arith.constant 0 : i32
    %dma_wait3A_13 = tpu.memref_slice %arg6[%dma_wait3A, %dma_wait3A_11, %dma_wait3A_12] : memref<2x200x64xf32, #tpu.memory_space<vmem>> -> memref<1x200x64xf32, #tpu.memory_space<vmem>>
    %dma_wait3A_14 = tpu.memref_squeeze %dma_wait3A_13 : memref<1x200x64xf32, #tpu.memory_space<vmem>> -> memref<200x64xf32, #tpu.memory_space<vmem>>
    %dma_wait3A_15 = arith.constant 0 : i32
    %dma_wait3A_16 = arith.constant 0 : i32
    %dma_wait3A_17 = tpu.memref_slice %arg3[%dma_wait3A_15, %dma_wait3A_16] : memref<1000000x64xf32, #tpu.memory_space<hbm>> -> memref<200x64xf32, #tpu.memory_space<hbm>>
    %dma_wait3A_18 = arith.constant 0 : i32
    %dma_wait3A_19 = arith.constant 0 : i32
    %dma_wait3A_20 = tpu.memref_slice %arg6[%dma_wait3A, %dma_wait3A_18, %dma_wait3A_19] : memref<2x200x64xf32, #tpu.memory_space<vmem>> -> memref<1x200x64xf32, #tpu.memory_space<vmem>>
    %dma_wait3A_21 = tpu.memref_squeeze %dma_wait3A_20 : memref<1x200x64xf32, #tpu.memory_space<vmem>> -> memref<200x64xf32, #tpu.memory_space<vmem>>
    %dma_wait3A_22 = arith.constant 0 : i32
    %dma_wait3A_23 = arith.constant 0 : i32
    %dma_wait3A_24 = tpu.memref_slice %arg3[%dma_wait3A_22, %dma_wait3A_23] : memref<1000000x64xf32, #tpu.memory_space<hbm>> -> memref<200x64xf32, #tpu.memory_space<hbm>>
    tpu.wait_dma2 semaphore(%arg8 : memref<!tpu.dma_semaphore, #tpu.memory_space<semaphore_mem>>) src(%dma_wait3A_24 : memref<200x64xf32, #tpu.memory_space<hbm>>) dst(%dma_wait3A_21 : memref<200x64xf32, #tpu.memory_space<vmem>>)
    %add3A_25 = arith.constant 127 : i32
    %add3A_26 = arith.addi %mul3A_2, %add3A_25 : i32
    %dma_start3A = arith.constant 1 : i32
    %dma_start3A_27 = arith.constant 0 : i32
    %dma_start3A_28 = arith.constant 0 : i32
    %dma_start3A_29 = tpu.memref_slice %arg6[%dma_start3A, %dma_start3A_27, %dma_start3A_28] : memref<2x200x64xf32, #tpu.memory_space<vmem>> -> memref<1x200x64xf32, #tpu.memory_space<vmem>>
    %dma_start3A_30 = tpu.memref_squeeze %dma_start3A_29 : memref<1x200x64xf32, #tpu.memory_space<vmem>> -> memref<200x64xf32, #tpu.memory_space<vmem>>
    %dma_start3A_31 = arith.constant 0 : i32
    %dma_start3A_32 = arith.constant 0 : i32
    %dma_start3A_33 = tpu.memref_slice %arg4[%add3A_26, %dma_start3A_31, %dma_start3A_32] : memref<4096x200x64xf32, #tpu.memory_space<hbm>> -> memref<1x200x64xf32, #tpu.memory_space<hbm>>
    %dma_start3A_34 = tpu.memref_squeeze %dma_start3A_33 : memref<1x200x64xf32, #tpu.memory_space<hbm>> -> memref<200x64xf32, #tpu.memory_space<hbm>>
    %dma_start3A_35 = arith.constant 0 : i32
    %dma_start3A_36 = arith.constant 0 : i32
    %dma_start3A_37 = tpu.memref_slice %arg4[%add3A_26, %dma_start3A_35, %dma_start3A_36] : memref<4096x200x64xf32, #tpu.memory_space<hbm>> -> memref<1x200x64xf32, #tpu.memory_space<hbm>>
    %dma_start3A_38 = tpu.memref_squeeze %dma_start3A_37 : memref<1x200x64xf32, #tpu.memory_space<hbm>> -> memref<200x64xf32, #tpu.memory_space<hbm>>
    %dma_start3A_39 = arith.constant 0 : i32
    %dma_start3A_40 = arith.constant 0 : i32
    %dma_start3A_41 = tpu.memref_slice %arg6[%dma_start3A, %dma_start3A_39, %dma_start3A_40] : memref<2x200x64xf32, #tpu.memory_space<vmem>> -> memref<1x200x64xf32, #tpu.memory_space<vmem>>
    %dma_start3A_42 = tpu.memref_squeeze %dma_start3A_41 : memref<1x200x64xf32, #tpu.memory_space<vmem>> -> memref<200x64xf32, #tpu.memory_space<vmem>>
    tpu.enqueue_dma source(%dma_start3A_42 : memref<200x64xf32, #tpu.memory_space<vmem>>) target(%dma_start3A_38 : memref<200x64xf32, #tpu.memory_space<hbm>>) target_semaphore(%arg10 : memref<!tpu.dma_semaphore, #tpu.memory_space<semaphore_mem>>)
    %add3A_43 = arith.constant 126 : i32
    %add3A_44 = arith.addi %mul3A_2, %add3A_43 : i32
    %dma_wait3A_45 = arith.constant 0 : i32
    %dma_wait3A_46 = arith.constant 0 : i32
    %dma_wait3A_47 = arith.constant 0 : i32
    %dma_wait3A_48 = tpu.memref_slice %arg6[%dma_wait3A_45, %dma_wait3A_46, %dma_wait3A_47] : memref<2x200x64xf32, #tpu.memory_space<vmem>> -> memref<1x200x64xf32, #tpu.memory_space<vmem>>
    %dma_wait3A_49 = tpu.memref_squeeze %dma_wait3A_48 : memref<1x200x64xf32, #tpu.memory_space<vmem>> -> memref<200x64xf32, #tpu.memory_space<vmem>>
    %dma_wait3A_50 = arith.constant 0 : i32
    %dma_wait3A_51 = arith.constant 0 : i32
    %dma_wait3A_52 = tpu.memref_slice %arg4[%add3A_44, %dma_wait3A_50, %dma_wait3A_51] : memref<4096x200x64xf32, #tpu.memory_space<hbm>> -> memref<1x200x64xf32, #tpu.memory_space<hbm>>
    %dma_wait3A_53 = tpu.memref_squeeze %dma_wait3A_52 : memref<1x200x64xf32, #tpu.memory_space<hbm>> -> memref<200x64xf32, #tpu.memory_space<hbm>>
    %dma_wait3A_54 = arith.constant 0 : i32
    %dma_wait3A_55 = arith.constant 0 : i32
    %dma_wait3A_56 = tpu.memref_slice %arg4[%add3A_44, %dma_wait3A_54, %dma_wait3A_55] : memref<4096x200x64xf32, #tpu.memory_space<hbm>> -> memref<1x200x64xf32, #tpu.memory_space<hbm>>
    %dma_wait3A_57 = tpu.memref_squeeze %dma_wait3A_56 : memref<1x200x64xf32, #tpu.memory_space<hbm>> -> memref<200x64xf32, #tpu.memory_space<hbm>>
    %dma_wait3A_58 = arith.constant 0 : i32
    %dma_wait3A_59 = arith.constant 0 : i32
    %dma_wait3A_60 = tpu.memref_slice %arg6[%dma_wait3A_45, %dma_wait3A_58, %dma_wait3A_59] : memref<2x200x64xf32, #tpu.memory_space<vmem>> -> memref<1x200x64xf32, #tpu.memory_space<vmem>>
    %dma_wait3A_61 = tpu.memref_squeeze %dma_wait3A_60 : memref<1x200x64xf32, #tpu.memory_space<vmem>> -> memref<200x64xf32, #tpu.memory_space<vmem>>
    tpu.wait_dma2 semaphore(%arg9 : memref<!tpu.dma_semaphore, #tpu.memory_space<semaphore_mem>>) src(%dma_wait3A_61 : memref<200x64xf32, #tpu.memory_space<vmem>>) dst(%dma_wait3A_57 : memref<200x64xf32, #tpu.memory_space<hbm>>)
    %add3A_62 = arith.constant 127 : i32
    %add3A_63 = arith.addi %mul3A_2, %add3A_62 : i32
    %dma_wait3A_64 = arith.constant 1 : i32
    %dma_wait3A_65 = arith.constant 0 : i32
    %dma_wait3A_66 = arith.constant 0 : i32
    %dma_wait3A_67 = tpu.memref_slice %arg6[%dma_wait3A_64, %dma_wait3A_65, %dma_wait3A_66] : memref<2x200x64xf32, #tpu.memory_space<vmem>> -> memref<1x200x64xf32, #tpu.memory_space<vmem>>
    %dma_wait3A_68 = tpu.memref_squeeze %dma_wait3A_67 : memref<1x200x64xf32, #tpu.memory_space<vmem>> -> memref<200x64xf32, #tpu.memory_space<vmem>>
    %dma_wait3A_69 = arith.constant 0 : i32
    %dma_wait3A_70 = arith.constant 0 : i32
    %dma_wait3A_71 = tpu.memref_slice %arg4[%add3A_63, %dma_wait3A_69, %dma_wait3A_70] : memref<4096x200x64xf32, #tpu.memory_space<hbm>> -> memref<1x200x64xf32, #tpu.memory_space<hbm>>
    %dma_wait3A_72 = tpu.memref_squeeze %dma_wait3A_71 : memref<1x200x64xf32, #tpu.memory_space<hbm>> -> memref<200x64xf32, #tpu.memory_space<hbm>>
    %dma_wait3A_73 = arith.constant 0 : i32
    %dma_wait3A_74 = arith.constant 0 : i32
    %dma_wait3A_75 = tpu.memref_slice %arg4[%add3A_63, %dma_wait3A_73, %dma_wait3A_74] : memref<4096x200x64xf32, #tpu.memory_space<hbm>> -> memref<1x200x64xf32, #tpu.memory_space<hbm>>
    %dma_wait3A_76 = tpu.memref_squeeze %dma_wait3A_75 : memref<1x200x64xf32, #tpu.memory_space<hbm>> -> memref<200x64xf32, #tpu.memory_space<hbm>>
    %dma_wait3A_77 = arith.constant 0 : i32
    %dma_wait3A_78 = arith.constant 0 : i32
    %dma_wait3A_79 = tpu.memref_slice %arg6[%dma_wait3A_64, %dma_wait3A_77, %dma_wait3A_78] : memref<2x200x64xf32, #tpu.memory_space<vmem>> -> memref<1x200x64xf32, #tpu.memory_space<vmem>>
    %dma_wait3A_80 = tpu.memref_squeeze %dma_wait3A_79 : memref<1x200x64xf32, #tpu.memory_space<vmem>> -> memref<200x64xf32, #tpu.memory_space<vmem>>
    tpu.wait_dma2 semaphore(%arg10 : memref<!tpu.dma_semaphore, #tpu.memory_space<semaphore_mem>>) src(%dma_wait3A_80 : memref<200x64xf32, #tpu.memory_space<vmem>>) dst(%dma_wait3A_76 : memref<200x64xf32, #tpu.memory_space<hbm>>)
    return
  }
}

</mosaic_0001>

<sc_bundles>
// kernel: kernel.3.cloned.1.call-start
scs
__scs_entry_jumppad:
0x0: {  	(pc) =	sbr.rel $0x88, $3  }
0x1: {  	(tag) =	ssettag $0x0;
	lr =	simm.s32 $0x1  }
0x2: {  	[smem:$0x3F9F] =	sst lr;
	_ =	strace $0xD0000000  }
0x3: {  	_ = 	snop  }
0x4: {  	_ = 	snop  }
0x5: {  	_ = 	snop  }
0x6: {  	_ = 	snop  }
0x7: {  	_ = 	snop  }
__scs_overlays_trampoline_lowered:
0x8: {  	[smem:$0x3FAE] =	sst s0  }
0x9: {  	[smem:$0x3FAF] =	sst s1  }
0xa: {  	[smem:$0x3FB0] =	sst s2  }
0xb: {  	[smem:$0x3FB1] =	sst s3  }
0xc: {  	[smem:$0x3FB2] =	sst s4  }
0xd: {  	[smem:$0x3FB3] =	sst s5  }
0xe: {  	[smem:$0x3FB4] =	sst s6  }
0xf: {  	[smem:$0x3FB5] =	sst s7  }
0x10: {  	[smem:$0x3FB6] =	sst s8  }
0x11: {  	[smem:$0x3FB7] =	sst s9;
	s0 =	simm.s32 @!p0 $0x0  }
0x12: {  	s1 =	sld [smem:$0x3F9D];
	s0 =	simm.s32 @p0 $0x1  }
0x13: {  	[smem:$0x3FB8] =	sst s0;
	s0 =	simm.s32 @!p1 $0x0  }
0x14: {  	s2 =	sld [smem:$0x3F9C];
	s0 =	simm.s32 @p1 $0x1  }
0x15: {  	[smem:$0x3FB9] =	sst s0;
	s0 =	simm.s32 @!p2 $0x0  }
0x16: {  	s3 =	sld [smem:$0x3FDB];
	s0 =	simm.s32 @p2 $0x1  }
0x17: {  	s4 =	simm.s32 $0x1BF5;
	[smem:$0x3FBB] =	sst s0  }
0x18: {  	s0 =	sld [smem:$0x3F9E];
	_ =	swait.ge [sflag:s4], $0x0  }
0x19: {  	s7 =	sld [smem:$0x3F9F]  }
0x1a: {  	s8 =	sadd.s32 $0xFFFFE003, lr  }
0x1b: {  	s9 =	sadd.s32 $0xFFFFFEF7, lr;
	s5 =	simm.s32 $0xFFFFFFFF;
	p2 =	slt.u32 s8, $0xFFFFF086  }
0x1c: {  	p1 =	slt.u32 s9, $0xF7A;
	s5 =	simm.s32 @!p2 $0x0  }
0x1d: {  	s5 =	simm.s32 @p1 $0x1;
	p0 =	seq.s32 s7, s2  }
0x1e: {  	s7 =	smul.u32 @!p0 $0xF7A, s2;
	p2 =	seq.s32 @!p0 s5, $0x0  }
0x1f: {  	s9 =	smul.u32 $0xF7A, s1;
	s8 =	simm.s32 @!p0 $0x1BF5;
	p2 =	por !p2, p0  }
0x20: {  	[sflag:s8] =	ssyncset.s32 @!p0 $0xFFFFF086;
	s6 =	sadd.s32 @!p0 s3, s7;
	s7 =	simm.s32 @!p0 $0x108  }
0x21: {  	s3 =	sadd.s32 s3, s9;
	s6 =	sadd.s32 @!p0 $0x88, s6;
	s7 =	simm.s32 @p2 $0x1082  }
0x22: {  	[simem:s7], [sflag:s8] =	dma.local @!p0 [hbm:s6], $0xF7A  }
0x23: {  	s9 =	sor.u32 $0xD0000000, s2;
	s6 =	simm.s32 $0x108;
	_ =	swait.ge @!p0 [sflag:s8], $0x0  }
0x24: {  	s3 =	sadd.s32 $0x88, s3;
	s6 =	simm.s32 @!p1 $0x1082;
	[sflag:s4] =	ssyncset.s32 $0xFFFFF086  }
0x25: {  	[simem:s6], [sflag:s4] =	dma.local [hbm:s3], $0xF7A  }
0x26: {  	[smem:$0x3F9F] =	sst s1;
	(tag) =	ssettag s2;
	_ =	strace s9  }
0x27: {  	s1 =	sld [smem:$0x3FAF]  }
0x28: {  	s2 =	sld [smem:$0x3FB0]  }
0x29: {  	s4 =	sld [smem:$0x3FB2]  }
0x2a: {  	p0 =	seq.s32 s5, $0x0;
	s5 =	sld [smem:$0x3FB3]  }
0x2b: {  	s6 =	sld [smem:$0x3FB4]  }
0x2c: {  	s7 =	sld [smem:$0x3FB5]  }
0x2d: {  	s3 =	simm.s32 $0x108;
	s8 =	sld [smem:$0x3FB6]  }
0x2e: {  	s3 =	simm.s32 @!p0 $0x1082;
	s9 =	sld [smem:$0x3FB7]  }
0x2f: {  	lr =	sadd.s32 s0, s3;
	s0 =	sld [smem:$0x3FAE]  }
0x30: {  	s3 =	sld [smem:$0x3FB1]  }
0x31: {  	[smem:$0x3FBA] =	sst s10  }
0x32: {  	s10 =	sld [smem:$0x3FB8];
	_ =	sdelay $0x3  }
0x33: {  	p0 =	seq.s32 s10, $0x1;
	s10 =	sld [smem:$0x3FBA];
	_ =	sdelay $0x3  }
0x34: {  	[smem:$0x3FBA] =	sst s10  }
0x35: {  	s10 =	sld [smem:$0x3FB9];
	_ =	sdelay $0x3  }
0x36: {  	p1 =	seq.s32 s10, $0x1;
	s10 =	sld [smem:$0x3FBA];
	_ =	sdelay $0x3  }
0x37: {  	[smem:$0x3FBA] =	sst s10  }
0x38: {  	s10 =	sld [smem:$0x3FBB]  }
0x39: {  	_ = 	snop;
	(pc) =	sbr.ind lr, $3  }
0x3a: {  	_ = 	snop  }
0x3b: {  	_ = 	snop  }
0x3c: {  	p2 =	seq.s32 s10, $0x1;
	s10 =	sld [smem:$0x3FBA]  }
0x3d: {  	_ =	shalt  }
0x3e: {  	_ =	shalt  }
0x3f: {  	_ =	shalt  }
0x40: {  	_ =	shalt  }
0x41: {  	_ =	shalt  }
0x42: {  	_ =	shalt  }
0x43: {  	_ =	shalt  }
0x44: {  	_ =	shalt  }
0x45: {  	_ =	shalt  }
0x46: {  	_ =	shalt  }
0x47: {  	_ =	shalt  }
0x48: {  	_ =	shalt  }
0x49: {  	_ =	shalt  }
0x4a: {  	_ =	shalt  }
0x4b: {  	_ =	shalt  }
0x4c: {  	_ =	shalt  }
0x4d: {  	_ =	shalt  }
0x4e: {  	_ =	shalt  }
0x4f: {  	_ =	shalt  }
0x50: {  	_ =	shalt  }
0x51: {  	_ =	shalt  }
0x52: {  	_ =	shalt  }
0x53: {  	_ =	shalt  }
0x54: {  	_ =	shalt  }
0x55: {  	_ =	shalt  }
0x56: {  	_ =	shalt  }
0x57: {  	_ =	shalt  }
0x58: {  	_ =	shalt  }
0x59: {  	_ =	shalt  }
0x5a: {  	_ =	shalt  }
0x5b: {  	_ =	shalt  }
0x5c: {  	_ =	shalt  }
0x5d: {  	_ =	shalt  }
0x5e: {  	_ =	shalt  }
0x5f: {  	_ =	shalt  }
0x60: {  	_ =	shalt  }
0x61: {  	_ =	shalt  }
0x62: {  	_ =	shalt  }
0x63: {  	_ =	shalt  }
0x64: {  	_ =	shalt  }
0x65: {  	_ =	shalt  }
0x66: {  	_ =	shalt  }
0x67: {  	_ =	shalt  }
0x68: {  	_ =	shalt  }
0x69: {  	_ =	shalt  }
0x6a: {  	_ =	shalt  }
0x6b: {  	_ =	shalt  }
0x6c: {  	_ =	shalt  }
0x6d: {  	_ =	shalt  }
0x6e: {  	_ =	shalt  }
0x6f: {  	_ =	shalt  }
0x70: {  	_ =	shalt  }
0x71: {  	_ =	shalt  }
0x72: {  	_ =	shalt  }
0x73: {  	_ =	shalt  }
0x74: {  	_ =	shalt  }
0x75: {  	_ =	shalt  }
0x76: {  	_ =	shalt  }
0x77: {  	_ =	shalt  }
0x78: {  	_ =	shalt  }
0x79: {  	_ =	shalt  }
0x7a: {  	_ =	shalt  }
0x7b: {  	_ =	shalt  }
0x7c: {  	_ =	shalt  }
0x7d: {  	_ =	shalt  }
0x7e: {  	_ =	shalt  }
0x7f: {  	_ =	shalt  }
0x80: {  	_ =	shalt  }
0x81: {  	_ =	shalt  }
0x82: {  	_ =	shalt  }
0x83: {  	_ =	shalt  }
0x84: {  	_ =	shalt  }
0x85: {  	_ =	shalt  }
0x86: {  	_ =	shalt  }
0x87: {  	_ =	shalt  }
.Lfunc_end0:
.L_simem_size_0:
called_computation_lowered:
.L_overlay_start_0:
0x88: {  	s2 =	sld [smem:$0x3FD9]  }
0x89: {  	s3 =	sld [smem:$0x3FFE];
	_ =	sdelay $0x1  }
0x8a: {  	s1 =	srdreg.scid  }
0x8b: {  	s0 =	sand.u32 $0x1, s1  }
0x8c: {  	s17 =	sshll.u32 s0, $0xA;
	s2 =	sadd.s32 s3, s2  }
0x8d: {  	s2 =	sadd.s32 s2, s17  }
0x8e: {  	[smem:$0x3FC6] =	sst s2  }
0x8f: {  	_ = 	snop  }
0x90: {  	s2 =	sld [smem:$0x3FD0];
	(tm) =	ssettm $0x1  }
0x91: {  	s18 =	sld [smem:$0x3FFB];
	_ =	sdelay $0x3  }
0x92: {  	_ =	strace s18  }
0x93: {  	s3 =	sld [smem:$0x3FFC];
	_ =	sdelay $0x3  }
0x94: {  	_ =	strace s3  }
0x95: {  	s3 =	sld [smem:$0x3FFD];
	_ =	sdelay $0x3  }
0x96: {  	_ =	strace s3  }
0x97: {  	_ =	strace $0x8FFFFFFF  }
0x98: {  	s19 =	sld [smem:$0x3FDB];
	_ =	sdelay $0x1  }
0x99: {  	s4 =	simm.s32 $_scs_section_size  }
0x9a: {  	s5 =	simm.s32 $_size__tile_overlayer_lowered;
	s6 =	simm.s32 $_tile_overlayer_lowered  }
0x9b: {  	s22 =	simm.s32 $0x1BFF;
	s21 =	sshll.u32 s6, $0x1;
	s3 =	sadd.s32 s4, s19  }
0x9c: {  	s7 =	simm.s32 $0x0;
	s20 =	sshll.u32 s5, $0x1;
	s5 =	sadd.s32 s21, s3  }
0x9d: {  	[timem:s7], [sflag:s22] =	dma.local [hbm:s5], s20  }
0x9e: {  	_ =	swait.ge [sflag:s22], s20  }
0x9f: {  	s4 =	ssub.s32 $0x0, s20;
	[sflag:s22] =	ssyncset.done $0x0  }
0xa0: {  	[sflag:s22] =	ssyncadd.s32 s4;
	_ =	sdelay $0x1  }
0xa1: {  	s23 =	simm.s32 $0x1B8B  }
0xa2: {  	_ =	swait.ge [sflag:s23], $0x1  }
0xa3: {  	[sflag:s23] =	ssyncset.done $0x0  }
0xa4: {  	s25 =	simm.s32 $0x1B8E;
	s24 =	sld [smem:$0x3FFE];
	[sflag:s23] =	ssyncadd.s32 $0xFFFFFFFF  }
0xa5: {  	s26 =	simm.s32 $execute0_lowered;
	[smem:$0x3FD2] =	sst s25  }
0xa6: {  	s5 =	sshll.u32 s26, $0x1;
	_ =	strace $0x80000046;
	[dreg:$0x1] =	wrdreg $0xFFFFFFFF  }
0xa7: {  	s28 =	simm.s32 $_size_execute0_lowered;
	s3 =	sadd.s32 s3, s5;
	[dreg:$0x0] =	wrdreg $0x0  }
0xa8: {  	s5 =	sshll.u32 s28, $0x1;
	[dreg:$0x2] =	wrdreg s3  }
0xa9: {  	[dreg:$0x3] =	wrdreg s5  }
0xaa: {  	[dreg:$0x4] =	wrdreg $0xC0  }
0xab: {  	_ =	task [dreg:s7], $0x5FFFF  }
0xac: {  	[dreg:$0x1] =	wrdreg $0xFFFFFFFF  }
0xad: {  	[dreg:$0x0] =	wrdreg $0x60  }
0xae: {  	[dreg:$0x2] =	wrdreg s2  }
0xaf: {  	[dreg:$0x3] =	wrdreg s24  }
0xb0: {  	[dreg:$0x4] =	wrdreg $0x9  }
0xb1: {  	_ =	task.clear_ibuf [dreg:s7], $0x5FFFF;
	_ =	strace $0x90000046  }
0xb2: {  	s29 =	simm.s32 $0x9;
	_ =	strace $0x80000048  }
0xb3: {  	_ =	swait.ge [sflag:s29], $0x1  }
0xb4: {  	[sflag:s29] =	ssyncadd.s32 $0xFFFFFFFF  }
0xb5: {  	_ =	strace $0x90000048  }
0xb6: {  	_ =	sfence  }
0xb7: {  	s30 =	sld [smem:$0x0];
	_ =	sdelay $0x2  }
0xb8: {  	s31 =	sshll.u32 s1, $0xD;
	s1 =	sshrl.u32 s1, $0x2  }
0xb9: {  	s3 =	sand.u32 $0x4000, s31;
	s1 =	sadd.s32 s1, s30  }
0xba: {  	s0 =	sor.u32 s3, s0;
	s1 =	sshll.u32 s1, $0x11  }
0xbb: {  	s0 =	sor.u32 s1, s0  }
0xbc: {  	s0 =	sadd.s32 $0x8F2B, s0  }
0xbd: {  	[sflag:s0] =	ssyncadd.remote.s32 $0x1  }
0xbe: {  	_ =	sfence.sel $0xFFFF  }
0xbf: {  	[dreg:$0x0] =	wrdreg $0xFFFFFFFF;
	(pc) =	sbr.abs _section_cstart, $3  }
0xc0: {  	[dreg:$0x1] =	wrdreg $0xFFFFFFFF  }
0xc1: {  	_ =	task.clear_ibuf [dreg:s7], $0x2FFFF;
	_ =	strace $0x9FFFFFFF  }
0xc2: {  	(tm) =	ssettm $0x7FFFFFFF  }
0xc3: {  	_ =	shalt  }
tec
execute0_lowered:
.L_overlay_start_1:
0x0: {  	(tag) =	ssettag $0x1  }
0x1: {  	s3 =	srdreg.scid;
	s4 =	stileid.u32  }
0x2: {  	s0 =	rddreg [dreg:$0x0];
	s3 =	sand.u32 $0x1, s3;
	s4 =	sshll.u32 s4, $0x1  }
0x3: {  	s1 =	rddreg [dreg:$0x1];
	s2 =	simm.s32 $0x0;
	s5 =	sor.u32 s3, s4  }
0x4: {  	s28 =	simm.s32 $0x1;
	[smem:$0x7FF] =	sst s2;
	s7 =	smul.u32 $0x320000, s5  }
0x5: {  	_ =	strace $0x80000047;
	s6 =	ssub.s32 $0x2, s3;
	s9 =	smul.u32 $0xC80, s5  }
0x6: {  	s3 =	sadd.s32 $0x400, s1;
	s4 =	sadd.s32 $0xF42800, s1;
	s8 =	sshrl.u32 s6, $0x1  }
0x7: {  	s26 =	ssub.s32 s6, s8;
	s29 =	sshrl.u32 s7, $0x3;
	s0 =	sadd.s32 s0, s9  }
0x8: {  	s31 =	smax.u32 s26, $0x1;
	[dreg:$0x3] =	wrdreg s0;
	s30 =	sadd.s32 s4, s29  }
0x9: {  	s5 =	sshll.u32 s5, $0x7;
	[dreg:$0x5] =	wrdreg s31;
	s0 =	sadd.s32 $0x63380, s30  }
0xa: {  	s6 =	simm.s32 $0x0;
	s7 =	sadd.s32 $0xFFFFFFFF, s5;
	[dreg:$0x4] =	wrdreg s0  }
.LBB2_1:
0xb: {  	[dreg:$0x6] =	wrdreg s6  }
0xc: {  	s0 =	rddreg [dreg:$0x3];
	s30 =	simm.s32 $0x5  }
0xd: {  	[tilespmem:s2], [sflag:$0x5] =	stream.linear.gather [hbm4b:s0+s2], $0x6400, $0x38;
	[tilespmem:$0x12C80] =	vst v63  }
0xe: {  	_ =	swait.ge [sflag:s30], $0x6400  }
0xf: {  	[sflag:s30] =	ssyncset.done $0x0  }
0x10: {  	s31 =	simm.s32 $0x0;
	s8 =	simm.s32 $0x0;
	[sflag:s30] =	ssyncadd.s32 $0xFFFF9C00  }
.LBB2_2:
0x11: {  	p0 =	seq.s32 s8, $0x0  }
0x12: {  	s0 =	simm.s32 @!p0 $0x3  }
0x13: {  	_ =	swait.ge @!p0 [sflag:s0], $0x6400  }
0x14: {  	[sflag:s0] =	ssyncset.done @!p0 $0x0  }
0x15: {  	[sflag:s0] =	ssyncadd.s32 @!p0 $0xFFFF9C00  }
0x16: {  	v0 =	vld [tilespmem:s31+$0x0];
	_ =	sdelay $0x4  }
0x17: {  	v0 =	vshll.u32 v0, $0x4  }
0x18: {  	(v2sf) =	vpush v0, $0x0  }
0x19: {  	(v2sf) =	vpush v0, $0x1  }
0x1a: {  	(v2sf) =	vpush v0, $0x2;
	_ =	sdelay $0x1  }
0x1b: {  	(v2sf) =	vpush v0, $0x4;
	_ =	sdelay $0x1  }
0x1c: {  	s10 =	smul.u32 $0x640, s8;
	(v2sf) =	vpush v0, $0x3  }
0x1d: {  	s9 =	sshll.u32 s8, $0x1;
	s1 =	simm.s32 $0x2000;
	(v2sf) =	vpush v0, $0x5  }
0x1e: {  	s6 =	smov.u32 s31;
	s30 =	sshra.s32 s10, $0x2;
	s0 =	simm.s32 $0x0;
	(v2sf) =	vpush v0, $0x6  }
.LBB2_3:
0x1f: {  	p1 =	sne.s32 s1, $0x16000  }
0x20: {  	s20 =	sadd.s32 $0x6500, s0;
	s14 =	sadd.s32 $0x6A00, s0;
	s11 =	smov.u32 s1  }
0x21: {  	s1 =	sadd.s32 $0x2000, s1;
	s17 =	sadd.s32 $0x6800, s0;
	s12 =	sadd.s32 $0x6A80, s0;
	(v2sf) =	vpush v0, $0x7  }
0x22: {  	s19 =	sadd.s32 $0x6700, s0;
	s16 =	sadd.s32 $0x6880, s0;
	s13 =	sadd.s32 $0x6B00, s0  }
0x23: {  	s21 =	sadd.s32 $0x6480, s0;
	s22 =	sadd.s32 $0x6680, s0;
	(v2sf) =	vpush v0, $0x8  }
0x24: {  	s23 =	sadd.s32 $0x6780, s0;
	s6 =	sadd.s32 $0x10, s6  }
0x25: {  	s24 =	sadd.s32 $0x6580, s0;
	s15 =	sadd.s32 $0x6980, s0;
	s18 =	spop (v2sf);
	(v2sf) =	vpush v0, $0x9  }
0x26: {  	s25 =	sand.u32 $0x1FFFFFF0, s18;
	s18 =	sadd.s32 $0x6900, s0;
	s26 =	spop (v2sf)  }
0x27: {  	s25 =	sadd.s32 s3, s25;
	s26 =	sand.u32 $0x1FFFFFF0, s26;
	s29 =	spop (v2sf);
	(v2sf) =	vpush v0, $0xA  }
0x28: {  	[tilespmem:s21], [sflag:$0x1] =	stream.linear.gather [hbm4b:s25+s2], $0x80, $0x38;
	[tilespmem:$0x12C80] =	vst v63  }
0x29: {  	s21 =	sadd.s32 s3, s26;
	s25 =	sadd.s32 $0x6600, s0;
	s26 =	spop (v2sf);
	(v2sf) =	vpush v0, $0xB  }
0x2a: {  	[tilespmem:s20], [sflag:$0x1] =	stream.linear.gather [hbm4b:s21+s2], $0x80, $0x38;
	[tilespmem:$0x12C80] =	vst v63  }
0x2b: {  	s20 =	sand.u32 $0x1FFFFFF0, s29;
	s21 =	sand.u32 $0x1FFFFFF0, s26;
	s26 =	spop (v2sf);
	(v2sf) =	vpush v0, $0xC  }
0x2c: {  	s20 =	sadd.s32 s3, s20;
	s26 =	sand.u32 $0x1FFFFFF0, s26;
	s29 =	spop (v2sf)  }
0x2d: {  	[tilespmem:s24], [sflag:$0x1] =	stream.linear.gather [hbm4b:s20+s2], $0x80, $0x38;
	(v2sf) =	vpush v0, $0xD;
	[tilespmem:$0x12C80] =	vst v63  }
0x2e: {  	s20 =	sadd.s32 s3, s26;
	s24 =	sand.u32 $0x1FFFFFF0, s29;
	s26 =	spop (v2sf)  }
0x2f: {  	[tilespmem:s25], [sflag:$0x1] =	stream.linear.gather [hbm4b:s20+s2], $0x80, $0x38;
	(v2sf) =	vpush v0, $0xE;
	[tilespmem:$0x12C80] =	vst v63  }
0x30: {  	s20 =	sadd.s32 s3, s21;
	s21 =	sand.u32 $0x1FFFFFF0, s26;
	s25 =	spop (v2sf)  }
0x31: {  	[tilespmem:s22], [sflag:$0x1] =	stream.linear.gather [hbm4b:s20+s2], $0x80, $0x38;
	(v2sf) =	vpush v0, $0xF;
	[tilespmem:$0x12C80] =	vst v63  }
0x32: {  	s20 =	sadd.s32 s3, s24;
	s22 =	sand.u32 $0x1FFFFFF0, s25;
	s24 =	spop (v2sf)  }
0x33: {  	[tilespmem:s19], [sflag:$0x1] =	stream.linear.gather [hbm4b:s20+s2], $0x80, $0x38;
	[tilespmem:$0x12C80] =	vst v63  }
0x34: {  	s19 =	sadd.s32 s3, s21;
	s20 =	sand.u32 $0x1FFFFFF0, s24;
	s21 =	spop (v2sf)  }
0x35: {  	[tilespmem:s23], [sflag:$0x1] =	stream.linear.gather [hbm4b:s19+s2], $0x80, $0x38;
	[tilespmem:$0x12C80] =	vst v63  }
0x36: {  	s19 =	sadd.s32 s3, s22;
	s21 =	sand.u32 $0x1FFFFFF0, s21;
	s22 =	spop (v2sf)  }
0x37: {  	[tilespmem:s17], [sflag:$0x1] =	stream.linear.gather [hbm4b:s19+s2], $0x80, $0x38;
	[tilespmem:$0x12C80] =	vst v63  }
0x38: {  	s17 =	sadd.s32 s3, s20;
	s19 =	sand.u32 $0x1FFFFFF0, s22;
	s20 =	spop (v2sf)  }
0x39: {  	[tilespmem:s16], [sflag:$0x1] =	stream.linear.gather [hbm4b:s17+s2], $0x80, $0x38;
	[tilespmem:$0x12C80] =	vst v63  }
0x3a: {  	s16 =	sadd.s32 s3, s21;
	s17 =	sand.u32 $0x1FFFFFF0, s20;
	s20 =	spop (v2sf)  }
0x3b: {  	[tilespmem:s18], [sflag:$0x1] =	stream.linear.gather [hbm4b:s16+s2], $0x80, $0x38;
	[tilespmem:$0x12C80] =	vst v63  }
0x3c: {  	s16 =	sadd.s32 s3, s19;
	s18 =	sand.u32 $0x1FFFFFF0, s20;
	s19 =	spop (v2sf)  }
0x3d: {  	[tilespmem:s15], [sflag:$0x1] =	stream.linear.gather [hbm4b:s16+s2], $0x80, $0x38;
	[tilespmem:$0x12C80] =	vst v63  }
0x3e: {  	s15 =	sadd.s32 s3, s17;
	s16 =	sand.u32 $0x1FFFFFF0, s19;
	s17 =	spop (v2sf)  }
0x3f: {  	[tilespmem:s14], [sflag:$0x1] =	stream.linear.gather [hbm4b:s15+s2], $0x80, $0x38;
	[tilespmem:$0x12C80] =	vst v63  }
0x40: {  	s14 =	sadd.s32 s3, s18;
	s15 =	sand.u32 $0x1FFFFFF0, s17;
	s17 =	spop (v2sf)  }
0x41: {  	[tilespmem:s12], [sflag:$0x1] =	stream.linear.gather [hbm4b:s14+s2], $0x80, $0x38;
	[tilespmem:$0x12C80] =	vst v63  }
0x42: {  	s12 =	sadd.s32 s3, s16;
	s14 =	sand.u32 $0x1FFFFFF0, s17  }
0x43: {  	[tilespmem:s13], [sflag:$0x1] =	stream.linear.gather [hbm4b:s12+s2], $0x80, $0x38;
	[tilespmem:$0x12C80] =	vst v63  }
0x44: {  	s12 =	sadd.s32 $0x6B80, s0;
	s13 =	sadd.s32 s3, s15  }
0x45: {  	[tilespmem:s12], [sflag:$0x1] =	stream.linear.gather [hbm4b:s13+s2], $0x80, $0x38;
	[tilespmem:$0x12C80] =	vst v63  }
0x46: {  	s0 =	sadd.s32 $0x6C00, s0;
	s12 =	sadd.s32 s3, s14  }
0x47: {  	[tilespmem:s0], [sflag:$0x1] =	stream.linear.gather [hbm4b:s12+s2], $0x80, $0x38;
	[tilespmem:$0x12C80] =	vst v63  }
0x48: {  	v0 =	vld [tilespmem:s6+$0x0];
	_ =	sdelay $0x4  }
0x49: {  	v0 =	vshll.u32 v0, $0x4  }
0x4a: {  	(v2sf) =	vpush v0, $0x0  }
0x4b: {  	(v2sf) =	vpush v0, $0x1  }
0x4c: {  	(v2sf) =	vpush v0, $0x2;
	_ =	sdelay $0x1  }
0x4d: {  	(v2sf) =	vpush v0, $0x4  }
.Ltmp0:
0x4e: {  	(pc) =	sbr.rel @p1 .LBB2_3-.Ltmp0, $3  }
0x4f: {  	(v2sf) =	vpush v0, $0x3  }
0x50: {  	(v2sf) =	vpush v0, $0x5;
	_ =	sdelay $0x1  }
0x51: {  	s0 =	sshra.s32 s11, $0x2;
	(v2sf) =	vpush v0, $0x6  }
0x52: {  	_ =	sdelay $0x4  }
0x53: {  	s11 =	sadd.s32 $0x6480, s0;
	s1 =	spop (v2sf)  }
0x54: {  	s17 =	sadd.s32 $0x6500, s0;
	(v2sf) =	vpush v0, $0x7;
	s1 =	sand.u32 $0x1FFFFFF0, s1;
	s6 =	spop (v2sf)  }
0x55: {  	s1 =	sadd.s32 s3, s1;
	s6 =	sand.u32 $0x1FFFFFF0, s6;
	s18 =	spop (v2sf)  }
0x56: {  	[tilespmem:s11], [sflag:$0x1] =	stream.linear.gather [hbm4b:s1+s2], $0x80, $0x38;
	[tilespmem:$0x12C80] =	vst v63  }
0x57: {  	s6 =	sadd.s32 s3, s6;
	s19 =	sand.u32 $0x1FFFFFF0, s18;
	s21 =	spop (v2sf)  }
0x58: {  	[tilespmem:s17], [sflag:$0x1] =	stream.linear.gather [hbm4b:s6+s2], $0x80, $0x38;
	[tilespmem:$0x12C80] =	vst v63  }
0x59: {  	s20 =	sadd.s32 $0x6580, s0;
	s1 =	sadd.s32 s3, s19;
	s22 =	spop (v2sf);
	(v2sf) =	vpush v0, $0x8  }
0x5a: {  	[tilespmem:s20], [sflag:$0x1] =	stream.linear.gather [hbm4b:s1+s2], $0x80, $0x38;
	[tilespmem:$0x12C80] =	vst v63  }
0x5b: {  	s1 =	sand.u32 $0x1FFFFFF0, s22;
	(v2sf) =	vpush v0, $0x9  }
0x5c: {  	s23 =	sadd.s32 $0x6600, s0;
	s24 =	sand.u32 $0x1FFFFFF0, s21;
	s1 =	sadd.s32 s3, s1  }
0x5d: {  	(v2sf) =	vpush v0, $0xA;
	[tilespmem:s23], [sflag:$0x1] =	stream.linear.gather [hbm4b:s1+s2], $0x80, $0x38;
	[tilespmem:$0x12C80] =	vst v63  }
0x5e: {  	s25 =	sadd.s32 $0x6680, s0;
	s26 =	spop (v2sf);
	s1 =	sadd.s32 s3, s24  }
0x5f: {  	[tilespmem:s25], [sflag:$0x1] =	stream.linear.gather [hbm4b:s1+s2], $0x80, $0x38;
	[tilespmem:$0x12C80] =	vst v63  }
0x60: {  	s1 =	sand.u32 $0x1FFFFFF0, s26  }
0x61: {  	s29 =	sadd.s32 $0x6700, s0;
	s6 =	spop (v2sf);
	s1 =	sadd.s32 s3, s1  }
0x62: {  	[tilespmem:s29], [sflag:$0x1] =	stream.linear.gather [hbm4b:s1+s2], $0x80, $0x38;
	[tilespmem:$0x12C80] =	vst v63  }
0x63: {  	s12 =	spop (v2sf);
	(v2sf) =	vpush v0, $0xB  }
0x64: {  	s1 =	sand.u32 $0x1FFFFFF0, s6  }
0x65: {  	s11 =	sadd.s32 $0x6780, s0;
	s1 =	sadd.s32 s3, s1  }
0x66: {  	[tilespmem:s11], [sflag:$0x1] =	stream.linear.gather [hbm4b:s1+s2], $0x80, $0x38;
	[tilespmem:$0x12C80] =	vst v63  }
0x67: {  	s1 =	sand.u32 $0x1FFFFFF0, s12  }
0x68: {  	s13 =	sadd.s32 $0x6800, s0;
	s1 =	sadd.s32 s3, s1;
	s14 =	spop (v2sf);
	(v2sf) =	vpush v0, $0xC  }
0x69: {  	[tilespmem:s13], [sflag:$0x1] =	stream.linear.gather [hbm4b:s1+s2], $0x80, $0x38;
	[tilespmem:$0x12C80] =	vst v63  }
0x6a: {  	s16 =	spop (v2sf);
	(v2sf) =	vpush v0, $0xD  }
0x6b: {  	s1 =	sand.u32 $0x1FFFFFF0, s14  }
0x6c: {  	s15 =	sadd.s32 $0x6880, s0;
	s1 =	sadd.s32 s3, s1;
	s18 =	spop (v2sf)  }
0x6d: {  	(v2sf) =	vpush v0, $0xE;
	[tilespmem:s15], [sflag:$0x1] =	stream.linear.gather [hbm4b:s1+s2], $0x80, $0x38;
	[tilespmem:$0x12C80] =	vst v63  }
0x6e: {  	s1 =	sand.u32 $0x1FFFFFF0, s16  }
0x6f: {  	s17 =	sadd.s32 $0x6900, s0;
	s1 =	sadd.s32 s3, s1  }
0x70: {  	[tilespmem:s17], [sflag:$0x1] =	stream.linear.gather [hbm4b:s1+s2], $0x80, $0x38;
	[tilespmem:$0x12C80] =	vst v63  }
0x71: {  	s1 =	sand.u32 $0x1FFFFFF0, s18  }
0x72: {  	s19 =	sadd.s32 $0x6980, s0;
	s1 =	sadd.s32 s3, s1;
	s20 =	spop (v2sf);
	(v2sf) =	vpush v0, $0xF  }
0x73: {  	[tilespmem:s19], [sflag:$0x1] =	stream.linear.gather [hbm4b:s1+s2], $0x80, $0x38;
	[tilespmem:$0x12C80] =	vst v63  }
0x74: {  	s1 =	sand.u32 $0x1FFFFFF0, s20  }
0x75: {  	s21 =	sadd.s32 $0x6A00, s0;
	s1 =	sadd.s32 s3, s1  }
0x76: {  	[tilespmem:s21], [sflag:$0x1] =	stream.linear.gather [hbm4b:s1+s2], $0x80, $0x38;
	[tilespmem:$0x12C80] =	vst v63  }
0x77: {  	s22 =	spop (v2sf)  }
0x78: {  	s1 =	sand.u32 $0x1FFFFFF0, s22  }
0x79: {  	s23 =	sadd.s32 $0x6A80, s0;
	s24 =	spop (v2sf);
	s1 =	sadd.s32 s3, s1  }
0x7a: {  	[tilespmem:s23], [sflag:$0x1] =	stream.linear.gather [hbm4b:s1+s2], $0x80, $0x38;
	[tilespmem:$0x12C80] =	vst v63  }
0x7b: {  	s1 =	sand.u32 $0x1FFFFFF0, s24  }
0x7c: {  	s25 =	sadd.s32 $0x6B00, s0;
	s26 =	spop (v2sf);
	s1 =	sadd.s32 s3, s1  }
0x7d: {  	[tilespmem:s25], [sflag:$0x1] =	stream.linear.gather [hbm4b:s1+s2], $0x80, $0x38;
	[tilespmem:$0x12C80] =	vst v63  }
0x7e: {  	s1 =	sand.u32 $0x1FFFFFF0, s26  }
0x7f: {  	s29 =	sadd.s32 $0x6B80, s0;
	s1 =	sadd.s32 s3, s1  }
0x80: {  	[tilespmem:s29], [sflag:$0x1] =	stream.linear.gather [hbm4b:s1+s2], $0x80, $0x38;
	[tilespmem:$0x12C80] =	vst v63  }
0x81: {  	s11 =	spop (v2sf)  }
0x82: {  	s1 =	sand.u32 $0x1FFFFFF0, s11  }
0x83: {  	s12 =	sadd.s32 $0x6C00, s0;
	s1 =	sadd.s32 s3, s1  }
0x84: {  	[tilespmem:s12], [sflag:$0x1] =	stream.linear.gather [hbm4b:s1+s2], $0x80, $0x38;
	[tilespmem:$0x12C80] =	vst v63  }
0x85: {  	v0 =	vld [tilespmem:s30+$0xC0];
	_ =	sdelay $0x4  }
0x86: {  	v0 =	vshll.u32 v0, $0x4  }
0x87: {  	(v2sf) =	vpush v0, $0x0  }
0x88: {  	(v2sf) =	vpush v0, $0x1  }
0x89: {  	(v2sf) =	vpush v0, $0x2;
	_ =	sdelay $0x2  }
0x8a: {  	(v2sf) =	vpush v0, $0x3;
	_ =	sdelay $0x5  }
0x8b: {  	(v2sf) =	vpush v0, $0x4;
	_ =	sdelay $0x3  }
0x8c: {  	s13 =	spop (v2sf)  }
0x8d: {  	s0 =	sand.u32 $0x1FFFFFF0, s13;
	s15 =	spop (v2sf);
	(v2sf) =	vpush v0, $0x5  }
0x8e: {  	s14 =	simm.s32 $0xC480;
	s0 =	sadd.s32 s3, s0;
	s17 =	spop (v2sf)  }
0x8f: {  	(v2sf) =	vpush v0, $0x6;
	[tilespmem:s14], [sflag:$0x1] =	stream.linear.gather [hbm4b:s0+s2], $0x80, $0x38;
	[tilespmem:$0x12C80] =	vst v63  }
0x90: {  	s0 =	sand.u32 $0x1FFFFFF0, s15  }
0x91: {  	s16 =	simm.s32 $0xC500;
	s19 =	spop (v2sf);
	s0 =	sadd.s32 s3, s0  }
0x92: {  	(v2sf) =	vpush v0, $0x7;
	[tilespmem:s16], [sflag:$0x1] =	stream.linear.gather [hbm4b:s0+s2], $0x80, $0x38;
	[tilespmem:$0x12C80] =	vst v63  }
0x93: {  	s0 =	sand.u32 $0x1FFFFFF0, s17  }
0x94: {  	s18 =	simm.s32 $0xC580;
	s0 =	sadd.s32 s3, s0  }
0x95: {  	[tilespmem:s18], [sflag:$0x1] =	stream.linear.gather [hbm4b:s0+s2], $0x80, $0x38;
	[tilespmem:$0x12C80] =	vst v63  }
0x96: {  	s0 =	sand.u32 $0x1FFFFFF0, s19  }
0x97: {  	s20 =	simm.s32 $0xC600;
	s21 =	spop (v2sf);
	s0 =	sadd.s32 s3, s0  }
0x98: {  	[tilespmem:s20], [sflag:$0x1] =	stream.linear.gather [hbm4b:s0+s2], $0x80, $0x38;
	[tilespmem:$0x12C80] =	vst v63  }
0x99: {  	s0 =	sand.u32 $0x1FFFFFF0, s21  }
0x9a: {  	s22 =	simm.s32 $0xC680;
	s0 =	sadd.s32 s3, s0  }
0x9b: {  	[tilespmem:s22], [sflag:$0x1] =	stream.linear.gather [hbm4b:s0+s2], $0x80, $0x38;
	[tilespmem:$0x12C80] =	vst v63  }
0x9c: {  	s23 =	spop (v2sf)  }
0x9d: {  	s0 =	sand.u32 $0x1FFFFFF0, s23  }
0x9e: {  	s24 =	simm.s32 $0xC700;
	s25 =	spop (v2sf);
	s0 =	sadd.s32 s3, s0  }
0x9f: {  	[tilespmem:s24], [sflag:$0x1] =	stream.linear.gather [hbm4b:s0+s2], $0x80, $0x38;
	[tilespmem:$0x12C80] =	vst v63  }
0xa0: {  	s0 =	sand.u32 $0x1FFFFFF0, s25  }
0xa1: {  	s26 =	simm.s32 $0xC780;
	s29 =	spop (v2sf);
	s0 =	sadd.s32 s3, s0  }
0xa2: {  	[tilespmem:s26], [sflag:$0x1] =	stream.linear.gather [hbm4b:s0+s2], $0x80, $0x38;
	[tilespmem:$0x12C80] =	vst v63  }
0xa3: {  	s0 =	sand.u32 $0x1FFFFFF0, s29  }
0xa4: {  	s30 =	simm.s32 $0xC800;
	s0 =	sadd.s32 s3, s0  }
0xa5: {  	[tilespmem:s30], [sflag:$0x1] =	stream.linear.gather [hbm4b:s0+s2], $0x80, $0x38;
	[tilespmem:$0x12C80] =	vst v63  }
0xa6: {  	s1 =	sadd.s32 @!p0 s9, s7;
	s0 =	simm.s32 @!p0 $0x2  }
0xa7: {  	s1 =	smul.u32 @!p0 $0x6400, s1;
	_ =	swait.ge @!p0 [sflag:s0], $0x6400  }
0xa8: {  	[sflag:s0] =	ssyncset.done @!p0 $0x0  }
0xa9: {  	[sflag:s0] =	ssyncadd.s32 @!p0 $0xFFFF9C00;
	s0 =	sshrl.u32 @!p0 s1, $0x3  }
0xaa: {  	s6 =	simm.s32 @!p0 $0xC880;
	s1 =	simm.s32 @!p0 $0x0;
	s0 =	sadd.s32 @!p0 s4, s0  }
0xab: {  	[hbm4b:s0+s1] =	stream.linear.scatter @!p0 [tilespmem:s6], [sflag:$0x4], $0x6400, $0x38;
	[tilespmem:$0x12C80] =	vst v63  }
0xac: {  	s0 =	simm.s32 @!p0 $0x4  }
0xad: {  	s1 =	sadd.s32 @!p0 $0x320, s10;
	_ =	swait.ge @!p0 [sflag:s0], $0x6400  }
0xae: {  	s1 =	simm.s32 @p0 $0x320;
	[sflag:s0] =	ssyncset.done @!p0 $0x0  }
0xaf: {  	s10 =	sshra.s32 s1, $0x2;
	[sflag:s0] =	ssyncadd.s32 @!p0 $0xFFFF9C00  }
0xb0: {  	v0 =	vld [tilespmem:s10+$0x0];
	_ =	sdelay $0x4  }
0xb1: {  	v0 =	vshll.u32 v0, $0x4  }
0xb2: {  	(v2sf) =	vpush v0, $0x0  }
0xb3: {  	(v2sf) =	vpush v0, $0x1  }
0xb4: {  	(v2sf) =	vpush v0, $0x2;
	_ =	sdelay $0x1  }
0xb5: {  	(v2sf) =	vpush v0, $0x4;
	_ =	sdelay $0x1  }
0xb6: {  	(v2sf) =	vpush v0, $0x3  }
0xb7: {  	(v2sf) =	vpush v0, $0x5  }
0xb8: {  	s1 =	simm.s32 $0x2000;
	s0 =	simm.s32 $0x0;
	s6 =	smov.u32 s10;
	(v2sf) =	vpush v0, $0x6  }
.LBB2_5:
0xb9: {  	p0 =	sne.s32 s1, $0x16000  }
0xba: {  	s20 =	sadd.s32 $0xC900, s0;
	s14 =	sadd.s32 $0xCE00, s0;
	s11 =	smov.u32 s1  }
0xbb: {  	s1 =	sadd.s32 $0x2000, s1;
	s17 =	sadd.s32 $0xCC00, s0;
	s12 =	sadd.s32 $0xCE80, s0;
	(v2sf) =	vpush v0, $0x7  }
0xbc: {  	s19 =	sadd.s32 $0xCB00, s0;
	s16 =	sadd.s32 $0xCC80, s0;
	s13 =	sadd.s32 $0xCF00, s0  }
0xbd: {  	s21 =	sadd.s32 $0xC880, s0;
	s22 =	sadd.s32 $0xCA80, s0;
	(v2sf) =	vpush v0, $0x8  }
0xbe: {  	s23 =	sadd.s32 $0xCB80, s0;
	s6 =	sadd.s32 $0x10, s6  }
0xbf: {  	s24 =	sadd.s32 $0xC980, s0;
	s15 =	sadd.s32 $0xCD80, s0;
	s18 =	spop (v2sf);
	(v2sf) =	vpush v0, $0x9  }
0xc0: {  	s25 =	sand.u32 $0x1FFFFFF0, s18;
	s18 =	sadd.s32 $0xCD00, s0;
	s26 =	spop (v2sf)  }
0xc1: {  	s25 =	sadd.s32 s3, s25;
	s26 =	sand.u32 $0x1FFFFFF0, s26;
	s29 =	spop (v2sf);
	(v2sf) =	vpush v0, $0xA  }
0xc2: {  	[tilespmem:s21], [sflag:$0x2] =	stream.linear.gather [hbm4b:s25+s2], $0x80, $0x38;
	[tilespmem:$0x12C80] =	vst v63  }
0xc3: {  	s21 =	sadd.s32 s3, s26;
	s25 =	sadd.s32 $0xCA00, s0;
	s26 =	spop (v2sf);
	(v2sf) =	vpush v0, $0xB  }
0xc4: {  	[tilespmem:s20], [sflag:$0x2] =	stream.linear.gather [hbm4b:s21+s2], $0x80, $0x38;
	[tilespmem:$0x12C80] =	vst v63  }
0xc5: {  	s20 =	sand.u32 $0x1FFFFFF0, s29;
	s21 =	sand.u32 $0x1FFFFFF0, s26;
	s26 =	spop (v2sf);
	(v2sf) =	vpush v0, $0xC  }
0xc6: {  	s20 =	sadd.s32 s3, s20;
	s26 =	sand.u32 $0x1FFFFFF0, s26;
	s29 =	spop (v2sf)  }
0xc7: {  	[tilespmem:s24], [sflag:$0x2] =	stream.linear.gather [hbm4b:s20+s2], $0x80, $0x38;
	(v2sf) =	vpush v0, $0xD;
	[tilespmem:$0x12C80] =	vst v63  }
0xc8: {  	s20 =	sadd.s32 s3, s26;
	s24 =	sand.u32 $0x1FFFFFF0, s29;
	s26 =	spop (v2sf)  }
0xc9: {  	[tilespmem:s25], [sflag:$0x2] =	stream.linear.gather [hbm4b:s20+s2], $0x80, $0x38;
	(v2sf) =	vpush v0, $0xE;
	[tilespmem:$0x12C80] =	vst v63  }
0xca: {  	s20 =	sadd.s32 s3, s21;
	s21 =	sand.u32 $0x1FFFFFF0, s26;
	s25 =	spop (v2sf)  }
0xcb: {  	[tilespmem:s22], [sflag:$0x2] =	stream.linear.gather [hbm4b:s20+s2], $0x80, $0x38;
	(v2sf) =	vpush v0, $0xF;
	[tilespmem:$0x12C80] =	vst v63  }
0xcc: {  	s20 =	sadd.s32 s3, s24;
	s22 =	sand.u32 $0x1FFFFFF0, s25;
	s24 =	spop (v2sf)  }
0xcd: {  	[tilespmem:s19], [sflag:$0x2] =	stream.linear.gather [hbm4b:s20+s2], $0x80, $0x38;
	[tilespmem:$0x12C80] =	vst v63  }
0xce: {  	s19 =	sadd.s32 s3, s21;
	s20 =	sand.u32 $0x1FFFFFF0, s24;
	s21 =	spop (v2sf)  }
0xcf: {  	[tilespmem:s23], [sflag:$0x2] =	stream.linear.gather [hbm4b:s19+s2], $0x80, $0x38;
	[tilespmem:$0x12C80] =	vst v63  }
0xd0: {  	s19 =	sadd.s32 s3, s22;
	s21 =	sand.u32 $0x1FFFFFF0, s21;
	s22 =	spop (v2sf)  }
0xd1: {  	[tilespmem:s17], [sflag:$0x2] =	stream.linear.gather [hbm4b:s19+s2], $0x80, $0x38;
	[tilespmem:$0x12C80] =	vst v63  }
0xd2: {  	s17 =	sadd.s32 s3, s20;
	s19 =	sand.u32 $0x1FFFFFF0, s22;
	s20 =	spop (v2sf)  }
0xd3: {  	[tilespmem:s16], [sflag:$0x2] =	stream.linear.gather [hbm4b:s17+s2], $0x80, $0x38;
	[tilespmem:$0x12C80] =	vst v63  }
0xd4: {  	s16 =	sadd.s32 s3, s21;
	s17 =	sand.u32 $0x1FFFFFF0, s20;
	s20 =	spop (v2sf)  }
0xd5: {  	[tilespmem:s18], [sflag:$0x2] =	stream.linear.gather [hbm4b:s16+s2], $0x80, $0x38;
	[tilespmem:$0x12C80] =	vst v63  }
0xd6: {  	s16 =	sadd.s32 s3, s19;
	s18 =	sand.u32 $0x1FFFFFF0, s20;
	s19 =	spop (v2sf)  }
0xd7: {  	[tilespmem:s15], [sflag:$0x2] =	stream.linear.gather [hbm4b:s16+s2], $0x80, $0x38;
	[tilespmem:$0x12C80] =	vst v63  }
0xd8: {  	s15 =	sadd.s32 s3, s17;
	s16 =	sand.u32 $0x1FFFFFF0, s19;
	s17 =	spop (v2sf)  }
0xd9: {  	[tilespmem:s14], [sflag:$0x2] =	stream.linear.gather [hbm4b:s15+s2], $0x80, $0x38;
	[tilespmem:$0x12C80] =	vst v63  }
0xda: {  	s14 =	sadd.s32 s3, s18;
	s15 =	sand.u32 $0x1FFFFFF0, s17;
	s17 =	spop (v2sf)  }
0xdb: {  	[tilespmem:s12], [sflag:$0x2] =	stream.linear.gather [hbm4b:s14+s2], $0x80, $0x38;
	[tilespmem:$0x12C80] =	vst v63  }
0xdc: {  	s12 =	sadd.s32 s3, s16;
	s14 =	sand.u32 $0x1FFFFFF0, s17  }
0xdd: {  	[tilespmem:s13], [sflag:$0x2] =	stream.linear.gather [hbm4b:s12+s2], $0x80, $0x38;
	[tilespmem:$0x12C80] =	vst v63  }
0xde: {  	s12 =	sadd.s32 $0xCF80, s0;
	s13 =	sadd.s32 s3, s15  }
0xdf: {  	[tilespmem:s12], [sflag:$0x2] =	stream.linear.gather [hbm4b:s13+s2], $0x80, $0x38;
	[tilespmem:$0x12C80] =	vst v63  }
0xe0: {  	s0 =	sadd.s32 $0xD000, s0;
	s12 =	sadd.s32 s3, s14  }
0xe1: {  	[tilespmem:s0], [sflag:$0x2] =	stream.linear.gather [hbm4b:s12+s2], $0x80, $0x38;
	[tilespmem:$0x12C80] =	vst v63  }
0xe2: {  	v0 =	vld [tilespmem:s6+$0x0];
	_ =	sdelay $0x4  }
0xe3: {  	v0 =	vshll.u32 v0, $0x4  }
0xe4: {  	(v2sf) =	vpush v0, $0x0  }
0xe5: {  	(v2sf) =	vpush v0, $0x1  }
0xe6: {  	(v2sf) =	vpush v0, $0x2;
	_ =	sdelay $0x1  }
0xe7: {  	(v2sf) =	vpush v0, $0x4  }
.Ltmp1:
0xe8: {  	(pc) =	sbr.rel @p0 .LBB2_5-.Ltmp1, $3  }
0xe9: {  	(v2sf) =	vpush v0, $0x3  }
0xea: {  	(v2sf) =	vpush v0, $0x5;
	_ =	sdelay $0x1  }
0xeb: {  	s0 =	sshra.s32 s11, $0x2;
	(v2sf) =	vpush v0, $0x6  }
0xec: {  	_ =	sdelay $0x5  }
0xed: {  	s1 =	spop (v2sf)  }
0xee: {  	s6 =	spop (v2sf)  }
0xef: {  	s19 =	spop (v2sf)  }
0xf0: {  	s22 =	spop (v2sf);
	(v2sf) =	vpush v0, $0x7  }
0xf1: {  	s1 =	sand.u32 $0x1FFFFFF0, s1  }
0xf2: {  	s11 =	sadd.s32 $0xC880, s0;
	s1 =	sadd.s32 s3, s1  }
0xf3: {  	[tilespmem:s11], [sflag:$0x2] =	stream.linear.gather [hbm4b:s1+s2], $0x80, $0x38;
	[tilespmem:$0x12C80] =	vst v63  }
0xf4: {  	s6 =	sand.u32 $0x1FFFFFF0, s6;
	s23 =	spop (v2sf);
	(v2sf) =	vpush v0, $0x8  }
0xf5: {  	s18 =	sadd.s32 $0xC900, s0;
	s6 =	sadd.s32 s3, s6  }
0xf6: {  	[tilespmem:s18], [sflag:$0x2] =	stream.linear.gather [hbm4b:s6+s2], $0x80, $0x38;
	[tilespmem:$0x12C80] =	vst v63  }
0xf7: {  	s20 =	sand.u32 $0x1FFFFFF0, s19;
	s29 =	spop (v2sf);
	(v2sf) =	vpush v0, $0x9  }
0xf8: {  	s21 =	sadd.s32 $0xC980, s0;
	s1 =	sadd.s32 s3, s20  }
0xf9: {  	[tilespmem:s21], [sflag:$0x2] =	stream.linear.gather [hbm4b:s1+s2], $0x80, $0x38;
	[tilespmem:$0x12C80] =	vst v63  }
0xfa: {  	s1 =	sand.u32 $0x1FFFFFF0, s23;
	s6 =	spop (v2sf);
	(v2sf) =	vpush v0, $0xA  }
0xfb: {  	s24 =	sadd.s32 $0xCA00, s0;
	s25 =	sand.u32 $0x1FFFFFF0, s22;
	s1 =	sadd.s32 s3, s1  }
0xfc: {  	[tilespmem:s24], [sflag:$0x2] =	stream.linear.gather [hbm4b:s1+s2], $0x80, $0x38;
	[tilespmem:$0x12C80] =	vst v63  }
0xfd: {  	s26 =	sadd.s32 $0xCA80, s0;
	s1 =	sadd.s32 s3, s25  }
0xfe: {  	[tilespmem:s26], [sflag:$0x2] =	stream.linear.gather [hbm4b:s1+s2], $0x80, $0x38;
	[tilespmem:$0x12C80] =	vst v63  }
0xff: {  	s1 =	sand.u32 $0x1FFFFFF0, s29;
	s12 =	spop (v2sf);
	(v2sf) =	vpush v0, $0xB  }
0x100: {  	s30 =	sadd.s32 $0xCB00, s0;
	s1 =	sadd.s32 s3, s1  }
0x101: {  	[tilespmem:s30], [sflag:$0x2] =	stream.linear.gather [hbm4b:s1+s2], $0x80, $0x38;
	[tilespmem:$0x12C80] =	vst v63  }
0x102: {  	s1 =	sand.u32 $0x1FFFFFF0, s6  }
0x103: {  	s11 =	sadd.s32 $0xCB80, s0;
	s1 =	sadd.s32 s3, s1;
	s14 =	spop (v2sf);
	(v2sf) =	vpush v0, $0xC  }
0x104: {  	[tilespmem:s11], [sflag:$0x2] =	stream.linear.gather [hbm4b:s1+s2], $0x80, $0x38;
	[tilespmem:$0x12C80] =	vst v63  }
0x105: {  	s1 =	sand.u32 $0x1FFFFFF0, s12  }
0x106: {  	s13 =	sadd.s32 $0xCC00, s0;
	s1 =	sadd.s32 s3, s1;
	s16 =	spop (v2sf);
	(v2sf) =	vpush v0, $0xD  }
0x107: {  	[tilespmem:s13], [sflag:$0x2] =	stream.linear.gather [hbm4b:s1+s2], $0x80, $0x38;
	[tilespmem:$0x12C80] =	vst v63  }
0x108: {  	s1 =	sand.u32 $0x1FFFFFF0, s14  }
0x109: {  	s15 =	sadd.s32 $0xCC80, s0;
	s1 =	sadd.s32 s3, s1;
	s18 =	spop (v2sf);
	(v2sf) =	vpush v0, $0xE  }
0x10a: {  	[tilespmem:s15], [sflag:$0x2] =	stream.linear.gather [hbm4b:s1+s2], $0x80, $0x38;
	[tilespmem:$0x12C80] =	vst v63  }
0x10b: {  	s1 =	sand.u32 $0x1FFFFFF0, s16  }
0x10c: {  	s17 =	sadd.s32 $0xCD00, s0;
	s1 =	sadd.s32 s3, s1  }
0x10d: {  	[tilespmem:s17], [sflag:$0x2] =	stream.linear.gather [hbm4b:s1+s2], $0x80, $0x38;
	[tilespmem:$0x12C80] =	vst v63  }
0x10e: {  	s1 =	sand.u32 $0x1FFFFFF0, s18;
	s20 =	spop (v2sf);
	(v2sf) =	vpush v0, $0xF  }
0x10f: {  	s19 =	sadd.s32 $0xCD80, s0;
	s1 =	sadd.s32 s3, s1  }
0x110: {  	[tilespmem:s19], [sflag:$0x2] =	stream.linear.gather [hbm4b:s1+s2], $0x80, $0x38;
	[tilespmem:$0x12C80] =	vst v63  }
0x111: {  	s1 =	sand.u32 $0x1FFFFFF0, s20  }
0x112: {  	s21 =	sadd.s32 $0xCE00, s0;
	s1 =	sadd.s32 s3, s1;
	s22 =	spop (v2sf)  }
0x113: {  	[tilespmem:s21], [sflag:$0x2] =	stream.linear.gather [hbm4b:s1+s2], $0x80, $0x38;
	[tilespmem:$0x12C80] =	vst v63  }
0x114: {  	s1 =	sand.u32 $0x1FFFFFF0, s22  }
0x115: {  	s23 =	sadd.s32 $0xCE80, s0;
	s24 =	spop (v2sf);
	s1 =	sadd.s32 s3, s1  }
0x116: {  	[tilespmem:s23], [sflag:$0x2] =	stream.linear.gather [hbm4b:s1+s2], $0x80, $0x38;
	[tilespmem:$0x12C80] =	vst v63  }
0x117: {  	s1 =	sand.u32 $0x1FFFFFF0, s24  }
0x118: {  	s25 =	sadd.s32 $0xCF00, s0;
	s26 =	spop (v2sf);
	s1 =	sadd.s32 s3, s1  }
0x119: {  	[tilespmem:s25], [sflag:$0x2] =	stream.linear.gather [hbm4b:s1+s2], $0x80, $0x38;
	[tilespmem:$0x12C80] =	vst v63  }
0x11a: {  	s1 =	sand.u32 $0x1FFFFFF0, s26  }
0x11b: {  	s29 =	sadd.s32 $0xCF80, s0;
	s1 =	sadd.s32 s3, s1  }
0x11c: {  	[tilespmem:s29], [sflag:$0x2] =	stream.linear.gather [hbm4b:s1+s2], $0x80, $0x38;
	[tilespmem:$0x12C80] =	vst v63  }
0x11d: {  	s30 =	spop (v2sf)  }
0x11e: {  	s1 =	sand.u32 $0x1FFFFFF0, s30  }
0x11f: {  	s6 =	sadd.s32 $0xD000, s0;
	s1 =	sadd.s32 s3, s1  }
0x120: {  	[tilespmem:s6], [sflag:$0x2] =	stream.linear.gather [hbm4b:s1+s2], $0x80, $0x38;
	[tilespmem:$0x12C80] =	vst v63  }
0x121: {  	v63 =	vld [tilespmem:s10+$0xC0];
	_ =	sdelay $0x4  }
0x122: {  	v0 =	vshll.u32 v63, $0x4  }
0x123: {  	(v2sf) =	vpush v0, $0x0;
	_ =	sdelay $0x1  }
0x124: {  	(v2sf) =	vpush v0, $0x1;
	_ =	sdelay $0x1  }
0x125: {  	(v2sf) =	vpush v0, $0x2;
	_ =	sdelay $0x2  }
0x126: {  	(v2sf) =	vpush v0, $0x3;
	_ =	sdelay $0x7  }
0x127: {  	s11 =	spop (v2sf);
	(v2sf) =	vpush v0, $0x4;
	_ =	sdelay $0x1  }
0x128: {  	s13 =	spop (v2sf);
	(v2sf) =	vpush v0, $0x5  }
0x129: {  	s0 =	sand.u32 $0x1FFFFFF0, s11  }
0x12a: {  	s12 =	simm.s32 $0x12880;
	s0 =	sadd.s32 s3, s0;
	s15 =	spop (v2sf)  }
0x12b: {  	(v2sf) =	vpush v0, $0x6;
	[tilespmem:s12], [sflag:$0x2] =	stream.linear.gather [hbm4b:s0+s2], $0x80, $0x38;
	[tilespmem:$0x12C80] =	vst v63  }
0x12c: {  	s0 =	sand.u32 $0x1FFFFFF0, s13  }
0x12d: {  	s14 =	simm.s32 $0x12900;
	s17 =	spop (v2sf);
	s0 =	sadd.s32 s3, s0  }
0x12e: {  	(v2sf) =	vpush v0, $0x7;
	[tilespmem:s14], [sflag:$0x2] =	stream.linear.gather [hbm4b:s0+s2], $0x80, $0x38;
	[tilespmem:$0x12C80] =	vst v63  }
0x12f: {  	s0 =	sand.u32 $0x1FFFFFF0, s15  }
0x130: {  	s16 =	simm.s32 $0x12980;
	s0 =	sadd.s32 s3, s0  }
0x131: {  	[tilespmem:s16], [sflag:$0x2] =	stream.linear.gather [hbm4b:s0+s2], $0x80, $0x38;
	[tilespmem:$0x12C80] =	vst v63  }
0x132: {  	s0 =	sand.u32 $0x1FFFFFF0, s17  }
0x133: {  	s18 =	simm.s32 $0x12A00;
	s0 =	sadd.s32 s3, s0  }
0x134: {  	[tilespmem:s18], [sflag:$0x2] =	stream.linear.gather [hbm4b:s0+s2], $0x80, $0x38;
	[tilespmem:$0x12C80] =	vst v63  }
0x135: {  	s19 =	spop (v2sf)  }
0x136: {  	s0 =	sand.u32 $0x1FFFFFF0, s19  }
0x137: {  	s20 =	simm.s32 $0x12A80;
	s21 =	spop (v2sf);
	s0 =	sadd.s32 s3, s0  }
0x138: {  	[tilespmem:s20], [sflag:$0x2] =	stream.linear.gather [hbm4b:s0+s2], $0x80, $0x38;
	[tilespmem:$0x12C80] =	vst v63  }
0x139: {  	s0 =	sand.u32 $0x1FFFFFF0, s21  }
0x13a: {  	s22 =	simm.s32 $0x12B00;
	s23 =	spop (v2sf);
	s0 =	sadd.s32 s3, s0  }
0x13b: {  	[tilespmem:s22], [sflag:$0x2] =	stream.linear.gather [hbm4b:s0+s2], $0x80, $0x38;
	[tilespmem:$0x12C80] =	vst v63  }
0x13c: {  	s0 =	sand.u32 $0x1FFFFFF0, s23  }
0x13d: {  	s24 =	simm.s32 $0x12B80;
	s25 =	spop (v2sf);
	s0 =	sadd.s32 s3, s0  }
0x13e: {  	[tilespmem:s24], [sflag:$0x2] =	stream.linear.gather [hbm4b:s0+s2], $0x80, $0x38;
	[tilespmem:$0x12C80] =	vst v63  }
0x13f: {  	s8 =	sadd.s32 $0x1, s8;
	s0 =	sand.u32 $0x1FFFFFF0, s25  }
0x140: {  	p0 =	sne.s32 s8, $0x40;
	s26 =	simm.s32 $0x12C00;
	s0 =	sadd.s32 s3, s0  }
0x141: {  	[tilespmem:s26], [sflag:$0x2] =	stream.linear.gather [hbm4b:s0+s2], $0x80, $0x38;
	[tilespmem:$0x12C80] =	vst v63  }
.Ltmp2:
0x142: {  	s29 =	sadd.s32 s5, s9;
	(pc) =	sbr.rel @p0 .LBB2_2-.Ltmp2, $4  }
0x143: {  	s0 =	smul.u32 $0xC80, s29;
	_ =	swait.ge [sflag:s28], $0x6400  }
0x144: {  	s31 =	sadd.s32 $0x190, s31;
	[sflag:s28] =	ssyncset.done $0x0  }
0x145: {  	s30 =	simm.s32 $0x6480;
	s0 =	sadd.s32 s4, s0;
	[sflag:s28] =	ssyncadd.s32 $0xFFFF9C00  }
0x146: {  	[hbm4b:s0+s2] =	stream.linear.scatter [tilespmem:s30], [sflag:$0x3], $0x6400, $0x38;
	[tilespmem:$0x12C80] =	vst v63  }
0x147: {  	s0 =	simm.s32 $0x2  }
0x148: {  	_ =	swait.ge [sflag:s0], $0x6400  }
0x149: {  	s1 =	simm.s32 $0xC880;
	[sflag:s0] =	ssyncset.done $0x0  }
0x14a: {  	s29 =	simm.s32 $0x3;
	s26 =	rddreg [dreg:$0x4];
	[sflag:s0] =	ssyncadd.s32 $0xFFFF9C00  }
0x14b: {  	[hbm4b:s26+s2] =	stream.linear.scatter [tilespmem:s1], [sflag:$0x4], $0x6400, $0x38;
	[tilespmem:$0x12C80] =	vst v63  }
0x14c: {  	_ =	swait.ge [sflag:s29], $0x6400  }
0x14d: {  	[sflag:s29] =	ssyncset.done $0x0  }
0x14e: {  	s30 =	simm.s32 $0x4;
	[sflag:s29] =	ssyncadd.s32 $0xFFFF9C00  }
0x14f: {  	_ =	swait.ge [sflag:s30], $0x6400  }
0x150: {  	s6 =	rddreg [dreg:$0x6]  }
0x151: {  	s31 =	rddreg [dreg:$0x5];
	s6 =	sadd.s32 $0x1, s6  }
0x152: {  	p0 =	sne.s32 s6, s31  }
.Ltmp3:
0x153: {  	_ = 	snop;
	(pc) =	sbr.rel @p0 .LBB2_1-.Ltmp3, $3  }
0x154: {  	_ =	sdelay $0x1  }
0x155: {  	[sflag:s30] =	ssyncset.done $0x0  }
0x156: {  	[sflag:s30] =	ssyncadd.s32 $0xFFFF9C00  }
0x157: {  	_ =	sfence.sel $0x180000  }
0x158: {  	[bflag:$0x0] =	sbarrier.arrive $0xFFFF  }
0x159: {  	_ =	strace $0x90000047  }
0x15a: {  	s0 =	stileid.u32;
	[bflag:$0x2] =	sbarrier.arrive $0xFFFF  }
0x15b: {  	p0 =	sne.s32 s0, $0x0;
	s0 =	rddreg [dreg:$0x2]  }
0x15c: {  	s0 =	sadd.s32 @!p0 $0x100000, s0  }
0x15d: {  	[sflag:s0] =	ssyncadd.tile.s32 @!p0 $0x1;
	_ =	shalt  }
.Lfunc_end2:
_tile_overlayer_lowered:
.L_overlay_start_2:
0x15e: {  	(tag) =	ssettag $0x2  }
0x15f: {  	s0 =	rddreg [dreg:$0x0];
	s2 =	stileid.u32  }
0x160: {  	s1 =	rddreg [dreg:$0x1];
	p0 =	sne.s32 s2, $0x0  }
0x161: {  	s3 =	rddreg [dreg:$0x2];
	[bflag:$0x3] =	sbarrier.arrive $0xFFFF;
	s2 =	simm.s32 @!p0 $0x1C05  }
0x162: {  	[timem:s3], [sflag:s2] =	dma.local @!p0 [hbm:s0], s1  }
0x163: {  	s0 =	simm.s32 @!p0 $0x5  }
0x164: {  	_ =	swait.ge @!p0 [sflag:s0], s1  }
0x165: {  	s1 =	ssub.s32 @!p0 $0x0, s1;
	[sflag:s0] =	ssyncset.done @!p0 $0x0  }
0x166: {  	[sflag:s0] =	ssyncadd.s32 @!p0 s1  }
0x167: {  	[bflag:$0x3] =	sbarrier.arrive $0xFFFF  }
0x168: {  	_ =	shalt  }

</sc_bundles>
